<compile_context>
chip_gen: v7x
topology: tpu7x:2x2x1
jax: 0.10.2.dev20260603
libtpu: 0.0.44.dev20260713+nightly
codegen_flags: <defaults>
</compile_context>

<pallas_src>
import functools

import jax
import jax.numpy as jnp
from jax import lax
from jax.experimental import pallas as pl
from jax.experimental.pallas import tpu as pltpu
from jax.experimental.pallas import tpu_sc as plsc

N_NODES = 10000
N_EDGES = 320000
D = 128
N_GRAPHS = 128
N_CLASSES = 32

CHUNK = 128
N_TILES = 32
SUBCORES = 16
BURSTS_PER_TILE = 80
EDGE_ROWS = BURSTS_PER_TILE * N_TILES
ACC_ROWS = 10128
ZERO_ROWS_PER_TILE = 632
ROWS_PER_TILE = 624
ROWS_TAIL = N_NODES - ROWS_PER_TILE * SUBCORES

_sc_mesh = plsc.VectorSubcoreMesh(core_axis_name="c", subcore_axis_name="s")


@functools.partial(
    pl.kernel,
    mesh=_sc_mesh,
    out_type=jax.ShapeDtypeStruct((2, N_NODES, D), jnp.float32),
    scratch_types=(
        [pltpu.VMEM((CHUNK,), jnp.int32) for _ in range(4)]
        + [pltpu.VMEM((CHUNK, D), jnp.float32) for _ in range(2)]
        + [pltpu.VMEM_SHARED((ACC_ROWS, D), jnp.float32)]
        + [pltpu.SemaphoreType.DMA] * 2
    ),
)
def _edge_scatter_add(x_hbm, src_hbm, dst_hbm, out_hbm,
                      s0, d0, s1, d1, r0, r1, acc_sh, g0, g1):
    c = lax.axis_index("c")
    s = lax.axis_index("s")
    wid = s * 2 + c

    def _zero_row(r, _):
        def _zero_lane(k, _):
            r0[r, pl.ds(k * 16, 16)] = jnp.zeros((16,), jnp.float32)
            return 0
        return lax.fori_loop(0, D // 16, _zero_lane, 0)
    lax.fori_loop(0, CHUNK, _zero_row, 0)

    zbase = s * ZERO_ROWS_PER_TILE
    for j in range(ZERO_ROWS_PER_TILE // CHUNK):
        pltpu.sync_copy(r0, acc_sh.at[pl.ds(zbase + j * CHUNK, CHUNK)])
    zrem = ZERO_ROWS_PER_TILE % CHUNK
    if zrem:
        pltpu.sync_copy(
            r0.at[pl.ds(0, zrem)],
            acc_sh.at[pl.ds(zbase + (ZERO_ROWS_PER_TILE // CHUNK) * CHUNK,
                            zrem)])
    ztail = ACC_ROWS - ZERO_ROWS_PER_TILE * SUBCORES
    if ztail:
        @pl.when(s == 0)
        def _():
            pltpu.sync_copy(
                r0.at[pl.ds(0, ztail)],
                acc_sh.at[pl.ds(ZERO_ROWS_PER_TILE * SUBCORES, ztail)])

    base = s * ROWS_PER_TILE

    plsc.subcore_barrier()

    n_mine = jnp.int32(BURSTS_PER_TILE)
    b_start = wid * BURSTS_PER_TILE

    srcs = (s0, s1)
    dsts = (d0, d1)
    rows = (r0, r1)
    gsems = (g0, g1)

    def _load_and_gather(e0, b):
        pltpu.sync_copy(src_hbm.at[pl.ds(e0, CHUNK)], srcs[b])
        pltpu.sync_copy(dst_hbm.at[pl.ds(e0, CHUNK)], dsts[b])
        pltpu.async_copy(x_hbm.at[srcs[b]], rows[b], gsems[b])

    def _wait_and_scatter(b):
        pltpu.make_async_copy(x_hbm.at[pl.ds(0, CHUNK)], rows[b],
                              gsems[b]).wait()
        pltpu.sync_copy(rows[b], acc_sh.at[dsts[b]], add=True)

    def _pair(i, _):
        e0 = (b_start + 2 * i) * CHUNK
        _load_and_gather(e0, 0)
        _load_and_gather(e0 + CHUNK, 1)
        _wait_and_scatter(0)
        _wait_and_scatter(1)
        return 0
    lax.fori_loop(0, n_mine // 2, _pair, 0)

    plsc.subcore_barrier()
    pltpu.sync_copy(acc_sh.at[pl.ds(base, ROWS_PER_TILE)],
                    out_hbm.at[c, pl.ds(base, ROWS_PER_TILE)])

    @pl.when(s == 0)
    def _():
        pltpu.sync_copy(
            acc_sh.at[pl.ds(ROWS_PER_TILE * SUBCORES, ROWS_TAIL)],
            out_hbm.at[c, pl.ds(ROWS_PER_TILE * SUBCORES, ROWS_TAIL)])


ROWS_B = 1000


def _mlp_body(x_ref, a0_ref, a1_ref, wa_ref, ba_ref, wb_ref, bb_ref, o_ref):
    h = x_ref[...] + a0_ref[...] + a1_ref[...]
    h = jnp.dot(h, wa_ref[...], preferred_element_type=jnp.float32) + ba_ref[...]
    h = jnp.maximum(h, 0.0)
    h = jnp.dot(h, wb_ref[...], preferred_element_type=jnp.float32) + bb_ref[...]
    o_ref[...] = jnp.maximum(h, 0.0)


def _mlp(x, a0, a1, wa, ba, wb, bb):
    row_spec = pl.BlockSpec((ROWS_B, D), lambda i: (i, 0))
    w_spec = pl.BlockSpec((D, D), lambda i: (0, 0))
    b_spec = pl.BlockSpec((1, D), lambda i: (0, 0))
    return pl.pallas_call(
        _mlp_body,
        grid=(N_NODES // ROWS_B,),
        in_specs=[row_spec, row_spec, row_spec, w_spec, b_spec, w_spec, b_spec],
        out_specs=row_spec,
        out_shape=jax.ShapeDtypeStruct((N_NODES, D), jnp.float32),
    )(x, a0, a1, wa, ba.reshape(1, D), wb, bb.reshape(1, D))


def _mlp_pool_body(x_ref, a0_ref, a1_ref, wa_ref, ba_ref, wb_ref, bb_ref,
                   batch_ref, o_ref):
    h = x_ref[...] + a0_ref[...] + a1_ref[...]
    h = jnp.dot(h, wa_ref[...], preferred_element_type=jnp.float32) + ba_ref[...]
    h = jnp.maximum(h, 0.0)
    h = jnp.dot(h, wb_ref[...], preferred_element_type=jnp.float32) + bb_ref[...]
    h = jnp.maximum(h, 0.0)
    onehot = (batch_ref[...] == lax.broadcasted_iota(
        jnp.int32, (ROWS_B, N_GRAPHS), 1)).astype(jnp.float32)
    part = lax.dot_general(onehot, h, (((0,), (0,)), ((), ())),
                           preferred_element_type=jnp.float32)

    @pl.when(pl.program_id(0) == 0)
    def _():
        o_ref[...] = part

    @pl.when(pl.program_id(0) > 0)
    def _():
        o_ref[...] += part


def _mlp_pool(x, a0, a1, wa, ba, wb, bb, batch2):
    row_spec = pl.BlockSpec((ROWS_B, D), lambda i: (i, 0))
    w_spec = pl.BlockSpec((D, D), lambda i: (0, 0))
    b_spec = pl.BlockSpec((1, D), lambda i: (0, 0))
    return pl.pallas_call(
        _mlp_pool_body,
        grid=(N_NODES // ROWS_B,),
        in_specs=[row_spec, row_spec, row_spec, w_spec, b_spec, w_spec, b_spec,
                  pl.BlockSpec((ROWS_B, 1), lambda i: (i, 0))],
        out_specs=pl.BlockSpec((N_GRAPHS, N_GRAPHS), lambda i: (0, 0)),
        out_shape=jax.ShapeDtypeStruct((N_GRAPHS, N_GRAPHS), jnp.float32),
    )(x, a0, a1, wa, ba.reshape(1, D), wb, bb.reshape(1, D), batch2)


def _head_body(p_ref, w1_ref, b1_ref, w2_ref, b2_ref, o_ref):
    h = jnp.dot(p_ref[...], w1_ref[...], preferred_element_type=jnp.float32)
    h = jnp.maximum(h + b1_ref[...], 0.0)
    z = jnp.dot(h, w2_ref[...], preferred_element_type=jnp.float32) + b2_ref[...]
    m = jnp.max(z, axis=1, keepdims=True)
    e = jnp.exp(z - m)
    o_ref[...] = z - m - jnp.log(jnp.sum(e, axis=1, keepdims=True))


def _head(pooled, w1, b1, w2, b2):
    return pl.pallas_call(
        _head_body,
        out_shape=jax.ShapeDtypeStruct((N_GRAPHS, N_CLASSES), jnp.float32),
    )(pooled, w1, b1.reshape(1, D), w2, b2.reshape(1, N_CLASSES))


def kernel(x, edge_index, batch, W1a, b1a, W1b, b1b, W2a, b2a, W2b, b2b,
           Wl1, bl1, Wl2, bl2):
    n_pad = EDGE_ROWS * CHUNK - N_EDGES
    pad_src = jnp.arange(n_pad, dtype=jnp.int32) % N_NODES
    src = jnp.concatenate([edge_index[0].astype(jnp.int32), pad_src])
    pad_dst = N_NODES + (jnp.arange(n_pad, dtype=jnp.int32) % (ACC_ROWS - N_NODES))
    dst = jnp.concatenate([edge_index[1].astype(jnp.int32), pad_dst])
    batch2 = batch.astype(jnp.int32).reshape(N_NODES, 1)

    agg1 = _edge_scatter_add(x, src, dst)
    h1 = _mlp(x, agg1[0], agg1[1], W1a, b1a, W1b, b1b)
    agg2 = _edge_scatter_add(h1, src, dst)
    pooled = _mlp_pool(h1, agg2[0], agg2[1], W2a, b2a, W2b, b2b, batch2)
    return _head(pooled, Wl1, bl1, Wl2, bl2)

# --- scband reference (transcript-rebuilt; emitter-appended) ---
"""Pipeline reference for scband-gin-53944789238579 (READ-ONLY COPY).

The authoritative reference and input builder live on the scoring server;
editing this copy changes nothing except your own understanding.
"""

import jax, jax.numpy as jnp
import numpy as np

N_NODES = 10000
N_EDGES = 320000
D_FEAT = 128
HIDDEN = 128
N_CLASSES = 32
N_GRAPHS = 128


def setup_inputs(seed: int = 0) -> dict:
    key = jax.random.key(seed)
    ks = jax.random.split(key, 16)
    x = jax.random.normal(ks[0], (N_NODES, D_FEAT), dtype=jnp.float32)
    edge_index = jax.random.randint(ks[1], (2, N_EDGES), 0, N_NODES, dtype=jnp.int64)
    batch = jnp.sort(jax.random.randint(ks[2], (N_NODES,), 0, N_GRAPHS, dtype=jnp.int64))
    s = 1.0 / np.sqrt(D_FEAT)
    sh = 1.0 / np.sqrt(HIDDEN)
    params = {
        'W1a': jax.random.uniform(ks[3], (D_FEAT, HIDDEN), jnp.float32, -s, s),
        'b1a': jnp.zeros((HIDDEN,), jnp.float32),
        'W1b': jax.random.uniform(ks[4], (HIDDEN, HIDDEN), jnp.float32, -sh, sh),
        'b1b': jnp.zeros((HIDDEN,), jnp.float32),
        'W2a': jax.random.uniform(ks[5], (HIDDEN, HIDDEN), jnp.float32, -sh, sh),
        'b2a': jnp.zeros((HIDDEN,), jnp.float32),
        'W2b': jax.random.uniform(ks[6], (HIDDEN, HIDDEN), jnp.float32, -sh, sh),
        'b2b': jnp.zeros((HIDDEN,), jnp.float32),
        'Wl1': jax.random.uniform(ks[7], (HIDDEN, HIDDEN), jnp.float32, -sh, sh),
        'bl1': jnp.zeros((HIDDEN,), jnp.float32),
        'Wl2': jax.random.uniform(ks[8], (HIDDEN, N_CLASSES), jnp.float32, -sh, sh),
        'bl2': jnp.zeros((N_CLASSES,), jnp.float32),
    }
    out = {'x': x, 'edge_index': edge_index, 'batch': batch}
    out.update(params)
    return out


def _gin_conv(x, edge_index, Wa, ba, Wb, bb, eps=0.0):
    src = edge_index[0]
    dst = edge_index[1]
    agg = jnp.zeros_like(x).at[dst].add(x[src])
    h = (1.0 + eps) * x + agg
    h = h @ Wa + ba
    h = jax.nn.relu(h)
    h = h @ Wb + bb
    return h


def reference(x, edge_index, batch, W1a, b1a, W1b, b1b, W2a, b2a, W2b, b2b, Wl1, bl1, Wl2, bl2):
    h = jax.nn.relu(_gin_conv(x, edge_index, W1a, b1a, W1b, b1b))
    h = jax.nn.relu(_gin_conv(h, edge_index, W2a, b2a, W2b, b2b))
    pooled = jax.ops.segment_sum(h, batch, num_segments=N_GRAPHS)
    h = jax.nn.relu(pooled @ Wl1 + bl1)
    logits = h @ Wl2 + bl2
    return jax.nn.log_softmax(logits, axis=1)

if __name__ == "__main__":
    import jax
    _d = setup_inputs()
    print(jax.jit(kernel)(*tuple(_d.values())))

</pallas_src>

<mosaic_0001>
#map = affine_map<(d0, d1) -> (0, 0)>
#map1 = affine_map<(d0, d1) -> (0)>
#map2 = affine_map<(d0, d1) -> (0, 0, 0)>
module attributes {stable_mosaic.version = 14 : i64} {
  func.func @_edge_scatter_add(%arg0: i32, %arg1: i32, %arg2: memref<10000x128xf32, #tpu.memory_space<hbm>>, %arg3: memref<327680xi32, #tpu.memory_space<hbm>>, %arg4: memref<327680xi32, #tpu.memory_space<hbm>>, %arg5: memref<2x10000x128xf32, #tpu.memory_space<hbm>>, %arg6: memref<128xi32, #tpu.memory_space<vmem>>, %arg7: memref<128xi32, #tpu.memory_space<vmem>>, %arg8: memref<128xi32, #tpu.memory_space<vmem>>, %arg9: memref<128xi32, #tpu.memory_space<vmem>>, %arg10: memref<128x128xf32, #tpu.memory_space<vmem>>, %arg11: memref<128x128xf32, #tpu.memory_space<vmem>>, %arg12: memref<10128x128xf32, #tpu.memory_space<vmem_shared>>, %arg13: memref<!tpu.dma_semaphore, #tpu.memory_space<semaphore_mem>>, %arg14: memref<!tpu.dma_semaphore, #tpu.memory_space<semaphore_mem>>) attributes {dimension_semantics = [#tpu.dimension_semantics<core_parallel>, #tpu.dimension_semantics<subcore_parallel>], iteration_bounds = array<i64: 2, 16>, scalar_prefetch = 0 : i64, scratch_operands = 9 : i64, tpu.core_type = #tpu.core_type<sc_vector_subcore>, window_params = [{transform_indices = #map}, {transform_indices = #map1}, {transform_indices = #map1}, {transform_indices = #map2}]} {
    %mul3A = arith.constant 2 : i32
    %mul3A_0 = arith.muli %arg1, %mul3A : i32
    %add3A = arith.addi %mul3A_0, %arg0 : i32
    %scan3A = arith.constant 0 : i32
    %scan3A_1 = arith.constant 0 : i32
    %scan3A_2 = arith.constant 128 : i32
    %scan3A_3 = arith.addi %scan3A_1, %scan3A_2 : i32
    %scan3A_4 = arith.constant 1 : i32
    %scan3A_5 = scf.for %scan3A_59 = %scan3A_1 to %scan3A_3 step %scan3A_4 iter_args(%scan3A_60 = %scan3A) -> (i32)  : i32 {
      %scan3A_61 = arith.constant 0 : i32
      %scan3A_62 = arith.constant 0 : i32
      %scan3A_63 = arith.constant 8 : i32
      %scan3A_64 = arith.addi %scan3A_62, %scan3A_63 : i32
      %scan3A_65 = arith.constant 1 : i32
      %scan3A_66 = scf.for %scan3A_68 = %scan3A_62 to %scan3A_64 step %scan3A_65 iter_args(%scan3A_69 = %scan3A_61) -> (i32)  : i32 {
        %broadcast_in_dim3A = arith.constant 0.000000e+00 : f32
        %broadcast_in_dim3A_70 = vector.broadcast %broadcast_in_dim3A : f32 to vector<16xf32>
        %mul3A_71 = arith.constant 16 : i32
        %mul3A_72 = arith.muli %scan3A_68, %mul3A_71 : i32
        %swap3A = arith.index_cast %scan3A_59 : i32 to index
        %swap3A_73 = arith.index_cast %mul3A_72 : i32 to index
        %swap3A_74 = tpu.vector_load %arg10[%swap3A, %swap3A_73] {strides = array<i32>} : memref<128x128xf32, #tpu.memory_space<vmem>>, vector<1x16xf32>,
        %swap3A_75 = vector.shape_cast %swap3A_74 : vector<1x16xf32> to vector<16xf32>
        %swap3A_76 = vector.shape_cast %broadcast_in_dim3A_70 : vector<16xf32> to vector<1x16xf32>
        tpu.vector_store %arg10[%swap3A, %swap3A_73], %swap3A_76 {strides = array<i32>} : memref<128x128xf32, #tpu.memory_space<vmem>>, vector<1x16xf32>,
        %scan3A_77 = arith.constant 0 : i32
        scf.yield %scan3A_77 : i32
      }
      %scan3A_67 = arith.constant 8 : i32
      scf.yield %scan3A_66 : i32
    }
    %scan3A_6 = arith.constant 128 : i32
    %mul3A_7 = arith.constant 632 : i32
    %mul3A_8 = arith.muli %arg1, %mul3A_7 : i32
    %add3A_9 = arith.constant 0 : i32
    %add3A_10 = arith.addi %mul3A_8, %add3A_9 : i32
    "tpu.region"() ({
      %run_scoped3A = tpu.sem_alloc : memref<!tpu.dma_semaphore, #tpu.memory_space<semaphore_mem>>
      %dma_start3A = arith.constant 0 : i32
      %dma_start3A_59 = tpu.memref_slice %arg12[%add3A_10, %dma_start3A] : memref<10128x128xf32, #tpu.memory_space<vmem_shared>> -> memref<128x128xf32, #tpu.memory_space<vmem_shared>>
      %dma_start3A_60 = arith.constant 0 : i32
      %dma_start3A_61 = tpu.memref_slice %arg12[%add3A_10, %dma_start3A_60] : memref<10128x128xf32, #tpu.memory_space<vmem_shared>> -> memref<128x128xf32, #tpu.memory_space<vmem_shared>>
      tpu.enqueue_dma source(%arg10 : memref<128x128xf32, #tpu.memory_space<vmem>>) target(%dma_start3A_61 : memref<128x128xf32, #tpu.memory_space<vmem_shared>>) target_semaphore(%run_scoped3A : memref<!tpu.dma_semaphore, #tpu.memory_space<semaphore_mem>>)
      %dma_wait3A = arith.constant 0 : i32
      %dma_wait3A_62 = tpu.memref_slice %arg12[%add3A_10, %dma_wait3A] : memref<10128x128xf32, #tpu.memory_space<vmem_shared>> -> memref<128x128xf32, #tpu.memory_space<vmem_shared>>
      %dma_wait3A_63 = arith.constant 0 : i32
      %dma_wait3A_64 = tpu.memref_slice %arg12[%add3A_10, %dma_wait3A_63] : memref<10128x128xf32, #tpu.memory_space<vmem_shared>> -> memref<128x128xf32, #tpu.memory_space<vmem_shared>>
      tpu.wait_dma2 semaphore(%run_scoped3A : memref<!tpu.dma_semaphore, #tpu.memory_space<semaphore_mem>>) src(%arg10 : memref<128x128xf32, #tpu.memory_space<vmem>>) dst(%dma_wait3A_64 : memref<128x128xf32, #tpu.memory_space<vmem_shared>>)
      tpu.yield
    }) : () -> ()
    %add3A_11 = arith.constant 128 : i32
    %add3A_12 = arith.addi %mul3A_8, %add3A_11 : i32
    "tpu.region"() ({
      %run_scoped3A = tpu.sem_alloc : memref<!tpu.dma_semaphore, #tpu.memory_space<semaphore_mem>>
      %dma_start3A = arith.constant 0 : i32
      %dma_start3A_59 = tpu.memref_slice %arg12[%add3A_12, %dma_start3A] : memref<10128x128xf32, #tpu.memory_space<vmem_shared>> -> memref<128x128xf32, #tpu.memory_space<vmem_shared>>
      %dma_start3A_60 = arith.constant 0 : i32
      %dma_start3A_61 = tpu.memref_slice %arg12[%add3A_12, %dma_start3A_60] : memref<10128x128xf32, #tpu.memory_space<vmem_shared>> -> memref<128x128xf32, #tpu.memory_space<vmem_shared>>
      tpu.enqueue_dma source(%arg10 : memref<128x128xf32, #tpu.memory_space<vmem>>) target(%dma_start3A_61 : memref<128x128xf32, #tpu.memory_space<vmem_shared>>) target_semaphore(%run_scoped3A : memref<!tpu.dma_semaphore, #tpu.memory_space<semaphore_mem>>)
      %dma_wait3A = arith.constant 0 : i32
      %dma_wait3A_62 = tpu.memref_slice %arg12[%add3A_12, %dma_wait3A] : memref<10128x128xf32, #tpu.memory_space<vmem_shared>> -> memref<128x128xf32, #tpu.memory_space<vmem_shared>>
      %dma_wait3A_63 = arith.constant 0 : i32
      %dma_wait3A_64 = tpu.memref_slice %arg12[%add3A_12, %dma_wait3A_63] : memref<10128x128xf32, #tpu.memory_space<vmem_shared>> -> memref<128x128xf32, #tpu.memory_space<vmem_shared>>
      tpu.wait_dma2 semaphore(%run_scoped3A : memref<!tpu.dma_semaphore, #tpu.memory_space<semaphore_mem>>) src(%arg10 : memref<128x128xf32, #tpu.memory_space<vmem>>) dst(%dma_wait3A_64 : memref<128x128xf32, #tpu.memory_space<vmem_shared>>)
      tpu.yield
    }) : () -> ()
    %add3A_13 = arith.constant 256 : i32
    %add3A_14 = arith.addi %mul3A_8, %add3A_13 : i32
    "tpu.region"() ({
      %run_scoped3A = tpu.sem_alloc : memref<!tpu.dma_semaphore, #tpu.memory_space<semaphore_mem>>
      %dma_start3A = arith.constant 0 : i32
      %dma_start3A_59 = tpu.memref_slice %arg12[%add3A_14, %dma_start3A] : memref<10128x128xf32, #tpu.memory_space<vmem_shared>> -> memref<128x128xf32, #tpu.memory_space<vmem_shared>>
      %dma_start3A_60 = arith.constant 0 : i32
      %dma_start3A_61 = tpu.memref_slice %arg12[%add3A_14, %dma_start3A_60] : memref<10128x128xf32, #tpu.memory_space<vmem_shared>> -> memref<128x128xf32, #tpu.memory_space<vmem_shared>>
      tpu.enqueue_dma source(%arg10 : memref<128x128xf32, #tpu.memory_space<vmem>>) target(%dma_start3A_61 : memref<128x128xf32, #tpu.memory_space<vmem_shared>>) target_semaphore(%run_scoped3A : memref<!tpu.dma_semaphore, #tpu.memory_space<semaphore_mem>>)
      %dma_wait3A = arith.constant 0 : i32
      %dma_wait3A_62 = tpu.memref_slice %arg12[%add3A_14, %dma_wait3A] : memref<10128x128xf32, #tpu.memory_space<vmem_shared>> -> memref<128x128xf32, #tpu.memory_space<vmem_shared>>
      %dma_wait3A_63 = arith.constant 0 : i32
      %dma_wait3A_64 = tpu.memref_slice %arg12[%add3A_14, %dma_wait3A_63] : memref<10128x128xf32, #tpu.memory_space<vmem_shared>> -> memref<128x128xf32, #tpu.memory_space<vmem_shared>>
      tpu.wait_dma2 semaphore(%run_scoped3A : memref<!tpu.dma_semaphore, #tpu.memory_space<semaphore_mem>>) src(%arg10 : memref<128x128xf32, #tpu.memory_space<vmem>>) dst(%dma_wait3A_64 : memref<128x128xf32, #tpu.memory_space<vmem_shared>>)
      tpu.yield
    }) : () -> ()
    %add3A_15 = arith.constant 384 : i32
    %add3A_16 = arith.addi %mul3A_8, %add3A_15 : i32
    "tpu.region"() ({
      %run_scoped3A = tpu.sem_alloc : memref<!tpu.dma_semaphore, #tpu.memory_space<semaphore_mem>>
      %dma_start3A = arith.constant 0 : i32
      %dma_start3A_59 = tpu.memref_slice %arg12[%add3A_16, %dma_start3A] : memref<10128x128xf32, #tpu.memory_space<vmem_shared>> -> memref<128x128xf32, #tpu.memory_space<vmem_shared>>
      %dma_start3A_60 = arith.constant 0 : i32
      %dma_start3A_61 = tpu.memref_slice %arg12[%add3A_16, %dma_start3A_60] : memref<10128x128xf32, #tpu.memory_space<vmem_shared>> -> memref<128x128xf32, #tpu.memory_space<vmem_shared>>
      tpu.enqueue_dma source(%arg10 : memref<128x128xf32, #tpu.memory_space<vmem>>) target(%dma_start3A_61 : memref<128x128xf32, #tpu.memory_space<vmem_shared>>) target_semaphore(%run_scoped3A : memref<!tpu.dma_semaphore, #tpu.memory_space<semaphore_mem>>)
      %dma_wait3A = arith.constant 0 : i32
      %dma_wait3A_62 = tpu.memref_slice %arg12[%add3A_16, %dma_wait3A] : memref<10128x128xf32, #tpu.memory_space<vmem_shared>> -> memref<128x128xf32, #tpu.memory_space<vmem_shared>>
      %dma_wait3A_63 = arith.constant 0 : i32
      %dma_wait3A_64 = tpu.memref_slice %arg12[%add3A_16, %dma_wait3A_63] : memref<10128x128xf32, #tpu.memory_space<vmem_shared>> -> memref<128x128xf32, #tpu.memory_space<vmem_shared>>
      tpu.wait_dma2 semaphore(%run_scoped3A : memref<!tpu.dma_semaphore, #tpu.memory_space<semaphore_mem>>) src(%arg10 : memref<128x128xf32, #tpu.memory_space<vmem>>) dst(%dma_wait3A_64 : memref<128x128xf32, #tpu.memory_space<vmem_shared>>)
      tpu.yield
    }) : () -> ()
    %add3A_17 = arith.constant 512 : i32
    %add3A_18 = arith.addi %mul3A_8, %add3A_17 : i32
    "tpu.region"() ({
      %run_scoped3A = tpu.sem_alloc : memref<!tpu.dma_semaphore, #tpu.memory_space<semaphore_mem>>
      %dma_start3A = arith.constant 0 : i32
      %dma_start3A_59 = arith.constant 0 : i32
      %dma_start3A_60 = tpu.memref_slice %arg10[%dma_start3A, %dma_start3A_59] : memref<128x128xf32, #tpu.memory_space<vmem>> -> memref<120x128xf32, #tpu.memory_space<vmem>>
      %dma_start3A_61 = arith.constant 0 : i32
      %dma_start3A_62 = tpu.memref_slice %arg12[%add3A_18, %dma_start3A_61] : memref<10128x128xf32, #tpu.memory_space<vmem_shared>> -> memref<120x128xf32, #tpu.memory_space<vmem_shared>>
      %dma_start3A_63 = arith.constant 0 : i32
      %dma_start3A_64 = tpu.memref_slice %arg12[%add3A_18, %dma_start3A_63] : memref<10128x128xf32, #tpu.memory_space<vmem_shared>> -> memref<120x128xf32, #tpu.memory_space<vmem_shared>>
      %dma_start3A_65 = arith.constant 0 : i32
      %dma_start3A_66 = arith.constant 0 : i32
      %dma_start3A_67 = tpu.memref_slice %arg10[%dma_start3A_65, %dma_start3A_66] : memref<128x128xf32, #tpu.memory_space<vmem>> -> memref<120x128xf32, #tpu.memory_space<vmem>>
      tpu.enqueue_dma source(%dma_start3A_67 : memref<120x128xf32, #tpu.memory_space<vmem>>) target(%dma_start3A_64 : memref<120x128xf32, #tpu.memory_space<vmem_shared>>) target_semaphore(%run_scoped3A : memref<!tpu.dma_semaphore, #tpu.memory_space<semaphore_mem>>)
      %dma_wait3A = arith.constant 0 : i32
      %dma_wait3A_68 = arith.constant 0 : i32
      %dma_wait3A_69 = tpu.memref_slice %arg10[%dma_wait3A, %dma_wait3A_68] : memref<128x128xf32, #tpu.memory_space<vmem>> -> memref<120x128xf32, #tpu.memory_space<vmem>>
      %dma_wait3A_70 = arith.constant 0 : i32
      %dma_wait3A_71 = tpu.memref_slice %arg12[%add3A_18, %dma_wait3A_70] : memref<10128x128xf32, #tpu.memory_space<vmem_shared>> -> memref<120x128xf32, #tpu.memory_space<vmem_shared>>
      %dma_wait3A_72 = arith.constant 0 : i32
      %dma_wait3A_73 = tpu.memref_slice %arg12[%add3A_18, %dma_wait3A_72] : memref<10128x128xf32, #tpu.memory_space<vmem_shared>> -> memref<120x128xf32, #tpu.memory_space<vmem_shared>>
      %dma_wait3A_74 = arith.constant 0 : i32
      %dma_wait3A_75 = arith.constant 0 : i32
      %dma_wait3A_76 = tpu.memref_slice %arg10[%dma_wait3A_74, %dma_wait3A_75] : memref<128x128xf32, #tpu.memory_space<vmem>> -> memref<120x128xf32, #tpu.memory_space<vmem>>
      tpu.wait_dma2 semaphore(%run_scoped3A : memref<!tpu.dma_semaphore, #tpu.memory_space<semaphore_mem>>) src(%dma_wait3A_76 : memref<120x128xf32, #tpu.memory_space<vmem>>) dst(%dma_wait3A_73 : memref<120x128xf32, #tpu.memory_space<vmem_shared>>)
      tpu.yield
    }) : () -> ()
    %eq3A = arith.constant 0 : i32
    %eq3A_19 = arith.cmpi eq, %arg1, %eq3A : i32
    %convert_element_type3A = arith.extui %eq3A_19 : i1 to i32
    %cond3A = arith.constant 0 : i32
    %cond3A_20 = arith.cmpi ne, %convert_element_type3A, %cond3A : i32
    scf.if %cond3A_20 {
      "tpu.region"() ({
        %run_scoped3A = tpu.sem_alloc : memref<!tpu.dma_semaphore, #tpu.memory_space<semaphore_mem>>
        %dma_start3A = arith.constant 0 : i32
        %dma_start3A_59 = arith.constant 0 : i32
        %dma_start3A_60 = tpu.memref_slice %arg10[%dma_start3A, %dma_start3A_59] : memref<128x128xf32, #tpu.memory_space<vmem>> -> memref<16x128xf32, #tpu.memory_space<vmem>>
        %dma_start3A_61 = arith.constant 10112 : i32
        %dma_start3A_62 = arith.constant 0 : i32
        %dma_start3A_63 = tpu.memref_slice %arg12[%dma_start3A_61, %dma_start3A_62] : memref<10128x128xf32, #tpu.memory_space<vmem_shared>> -> memref<16x128xf32, #tpu.memory_space<vmem_shared>>
        %dma_start3A_64 = arith.constant 10112 : i32
        %dma_start3A_65 = arith.constant 0 : i32
        %dma_start3A_66 = tpu.memref_slice %arg12[%dma_start3A_64, %dma_start3A_65] : memref<10128x128xf32, #tpu.memory_space<vmem_shared>> -> memref<16x128xf32, #tpu.memory_space<vmem_shared>>
        %dma_start3A_67 = arith.constant 0 : i32
        %dma_start3A_68 = arith.constant 0 : i32
        %dma_start3A_69 = tpu.memref_slice %arg10[%dma_start3A_67, %dma_start3A_68] : memref<128x128xf32, #tpu.memory_space<vmem>> -> memref<16x128xf32, #tpu.memory_space<vmem>>
        tpu.enqueue_dma source(%dma_start3A_69 : memref<16x128xf32, #tpu.memory_space<vmem>>) target(%dma_start3A_66 : memref<16x128xf32, #tpu.memory_space<vmem_shared>>) target_semaphore(%run_scoped3A : memref<!tpu.dma_semaphore, #tpu.memory_space<semaphore_mem>>)
        %dma_wait3A = arith.constant 0 : i32
        %dma_wait3A_70 = arith.constant 0 : i32
        %dma_wait3A_71 = tpu.memref_slice %arg10[%dma_wait3A, %dma_wait3A_70] : memref<128x128xf32, #tpu.memory_space<vmem>> -> memref<16x128xf32, #tpu.memory_space<vmem>>
        %dma_wait3A_72 = arith.constant 10112 : i32
        %dma_wait3A_73 = arith.constant 0 : i32
        %dma_wait3A_74 = tpu.memref_slice %arg12[%dma_wait3A_72, %dma_wait3A_73] : memref<10128x128xf32, #tpu.memory_space<vmem_shared>> -> memref<16x128xf32, #tpu.memory_space<vmem_shared>>
        %dma_wait3A_75 = arith.constant 10112 : i32
        %dma_wait3A_76 = arith.constant 0 : i32
        %dma_wait3A_77 = tpu.memref_slice %arg12[%dma_wait3A_75, %dma_wait3A_76] : memref<10128x128xf32, #tpu.memory_space<vmem_shared>> -> memref<16x128xf32, #tpu.memory_space<vmem_shared>>
        %dma_wait3A_78 = arith.constant 0 : i32
        %dma_wait3A_79 = arith.constant 0 : i32
        %dma_wait3A_80 = tpu.memref_slice %arg10[%dma_wait3A_78, %dma_wait3A_79] : memref<128x128xf32, #tpu.memory_space<vmem>> -> memref<16x128xf32, #tpu.memory_space<vmem>>
        tpu.wait_dma2 semaphore(%run_scoped3A : memref<!tpu.dma_semaphore, #tpu.memory_space<semaphore_mem>>) src(%dma_wait3A_80 : memref<16x128xf32, #tpu.memory_space<vmem>>) dst(%dma_wait3A_77 : memref<16x128xf32, #tpu.memory_space<vmem_shared>>)
        tpu.yield
      }) : () -> ()
    } else {
    }
    %mul3A_21 = arith.constant 624 : i32
    %mul3A_22 = arith.muli %arg1, %mul3A_21 : i32
    %barrier3A = arith.constant 0 : index
    tpu.barrier barrier_id(%barrier3A)
    %mul3A_23 = arith.constant 80 : i32
    %mul3A_24 = arith.muli %add3A, %mul3A_23 : i32
    %jit3A = arith.constant 80 : i32
    %jit3A_25 = arith.constant 2 : i32
    %div3A = arith.divsi %jit3A, %jit3A_25 : i32
    %sign3A = arith.constant 0 : i32
    %sign3A_26 = arith.cmpi sgt, %jit3A, %sign3A : i32
    %sign3A_27 = arith.extui %sign3A_26 : i1 to i32
    %sign3A_28 = arith.constant 0 : i32
    %sign3A_29 = arith.cmpi slt, %jit3A, %sign3A_28 : i32
    %sign3A_30 = arith.extui %sign3A_29 : i1 to i32
    %sign3A_31 = arith.subi %sign3A_27, %sign3A_30 : i32
    %sign3A_32 = arith.constant 0 : i32
    %sign3A_33 = arith.cmpi sgt, %jit3A_25, %sign3A_32 : i32
    %sign3A_34 = arith.extui %sign3A_33 : i1 to i32
    %sign3A_35 = arith.constant 0 : i32
    %sign3A_36 = arith.cmpi slt, %jit3A_25, %sign3A_35 : i32
    %sign3A_37 = arith.extui %sign3A_36 : i1 to i32
    %sign3A_38 = arith.subi %sign3A_34, %sign3A_37 : i32
    %ne3A = arith.cmpi ne, %sign3A_31, %sign3A_38 : i32
    %rem3A = arith.remsi %jit3A, %jit3A_25 : i32
    %ne3A_39 = arith.constant 0 : i32
    %ne3A_40 = arith.cmpi ne, %rem3A, %ne3A_39 : i32
    %and3A = arith.andi %ne3A, %ne3A_40 : i1
    %sub3A = arith.constant 1 : i32
    %sub3A_41 = arith.subi %div3A, %sub3A : i32
    %select_n3A = arith.select %and3A, %sub3A_41, %div3A : i32
    %while3A = arith.constant 0 : i32
    %while3A_42 = arith.constant 0 : i32
    %while3A_43 = arith.subi %select_n3A, %while3A : i32
    %while3A_44 = arith.addi %while3A, %while3A_43 : i32
    %while3A_45 = arith.constant 1 : i32
    %while3A_46 = arith.divsi %while3A_43, %while3A_45 : i32
    %while3A_47 = arith.muli %while3A_46, %while3A_45 : i32
    %while3A_48 = arith.addi %while3A, %while3A_47 : i32
    %while3A_49 = arith.constant 1 : i32
    %while3A_50 = scf.for %while3A_59 = %while3A to %while3A_48 step %while3A_49 iter_args(%while3A_60 = %while3A_42) -> (i32)  : i32 {
      %mul3A_61 = arith.constant 2 : i32
      %mul3A_62 = arith.muli %mul3A_61, %while3A_59 : i32
      %add3A_63 = arith.addi %mul3A_24, %mul3A_62 : i32
      %mul3A_64 = arith.constant 128 : i32
      %mul3A_65 = arith.muli %add3A_63, %mul3A_64 : i32
      "tpu.region"() ({
        %run_scoped3A = tpu.sem_alloc : memref<!tpu.dma_semaphore, #tpu.memory_space<semaphore_mem>>
        %dma_start3A_85 = tpu.memref_slice %arg3[%mul3A_65] : memref<327680xi32, #tpu.memory_space<hbm>> -> memref<128xi32, #tpu.memory_space<hbm>>
        %dma_start3A_86 = tpu.memref_slice %arg3[%mul3A_65] : memref<327680xi32, #tpu.memory_space<hbm>> -> memref<128xi32, #tpu.memory_space<hbm>>
        tpu.enqueue_dma source(%dma_start3A_86 : memref<128xi32, #tpu.memory_space<hbm>>) target(%arg6 : memref<128xi32, #tpu.memory_space<vmem>>) target_semaphore(%run_scoped3A : memref<!tpu.dma_semaphore, #tpu.memory_space<semaphore_mem>>)
        %dma_wait3A_87 = tpu.memref_slice %arg3[%mul3A_65] : memref<327680xi32, #tpu.memory_space<hbm>> -> memref<128xi32, #tpu.memory_space<hbm>>
        %dma_wait3A_88 = tpu.memref_slice %arg3[%mul3A_65] : memref<327680xi32, #tpu.memory_space<hbm>> -> memref<128xi32, #tpu.memory_space<hbm>>
        tpu.wait_dma2 semaphore(%run_scoped3A : memref<!tpu.dma_semaphore, #tpu.memory_space<semaphore_mem>>) src(%dma_wait3A_88 : memref<128xi32, #tpu.memory_space<hbm>>) dst(%arg6 : memref<128xi32, #tpu.memory_space<vmem>>)
        tpu.yield
      }) : () -> ()
      "tpu.region"() ({
        %run_scoped3A = tpu.sem_alloc : memref<!tpu.dma_semaphore, #tpu.memory_space<semaphore_mem>>
        %dma_start3A_85 = tpu.memref_slice %arg4[%mul3A_65] : memref<327680xi32, #tpu.memory_space<hbm>> -> memref<128xi32, #tpu.memory_space<hbm>>
        %dma_start3A_86 = tpu.memref_slice %arg4[%mul3A_65] : memref<327680xi32, #tpu.memory_space<hbm>> -> memref<128xi32, #tpu.memory_space<hbm>>
        tpu.enqueue_dma source(%dma_start3A_86 : memref<128xi32, #tpu.memory_space<hbm>>) target(%arg7 : memref<128xi32, #tpu.memory_space<vmem>>) target_semaphore(%run_scoped3A : memref<!tpu.dma_semaphore, #tpu.memory_space<semaphore_mem>>)
        %dma_wait3A_87 = tpu.memref_slice %arg4[%mul3A_65] : memref<327680xi32, #tpu.memory_space<hbm>> -> memref<128xi32, #tpu.memory_space<hbm>>
        %dma_wait3A_88 = tpu.memref_slice %arg4[%mul3A_65] : memref<327680xi32, #tpu.memory_space<hbm>> -> memref<128xi32, #tpu.memory_space<hbm>>
        tpu.wait_dma2 semaphore(%run_scoped3A : memref<!tpu.dma_semaphore, #tpu.memory_space<semaphore_mem>>) src(%dma_wait3A_88 : memref<128xi32, #tpu.memory_space<hbm>>) dst(%arg7 : memref<128xi32, #tpu.memory_space<vmem>>)
        tpu.yield
      }) : () -> ()
      %dma_start3A = arith.constant 0 : i32
      %dma_start3A_66 = arith.constant 0 : i32
      %dma_start3A_67 = tpu.memref_slice %arg2[%dma_start3A, %dma_start3A_66] : memref<10000x128xf32, #tpu.memory_space<hbm>> -> memref<10000x128xf32, #tpu.memory_space<hbm>>
      tpu.enqueue_indirect_dma source(%dma_start3A_67 : memref<10000x128xf32, #tpu.memory_space<hbm>>) target(%arg10 : memref<128x128xf32, #tpu.memory_space<vmem>>) offsets(%arg6 : memref<128xi32, #tpu.memory_space<vmem>>) semaphore(%arg13 : memref<!tpu.dma_semaphore, #tpu.memory_space<semaphore_mem>>)
      %add3A_68 = arith.constant 128 : i32
      %add3A_69 = arith.addi %mul3A_65, %add3A_68 : i32
      "tpu.region"() ({
        %run_scoped3A = tpu.sem_alloc : memref<!tpu.dma_semaphore, #tpu.memory_space<semaphore_mem>>
        %dma_start3A_85 = tpu.memref_slice %arg3[%add3A_69] : memref<327680xi32, #tpu.memory_space<hbm>> -> memref<128xi32, #tpu.memory_space<hbm>>
        %dma_start3A_86 = tpu.memref_slice %arg3[%add3A_69] : memref<327680xi32, #tpu.memory_space<hbm>> -> memref<128xi32, #tpu.memory_space<hbm>>
        tpu.enqueue_dma source(%dma_start3A_86 : memref<128xi32, #tpu.memory_space<hbm>>) target(%arg8 : memref<128xi32, #tpu.memory_space<vmem>>) target_semaphore(%run_scoped3A : memref<!tpu.dma_semaphore, #tpu.memory_space<semaphore_mem>>)
        %dma_wait3A_87 = tpu.memref_slice %arg3[%add3A_69] : memref<327680xi32, #tpu.memory_space<hbm>> -> memref<128xi32, #tpu.memory_space<hbm>>
        %dma_wait3A_88 = tpu.memref_slice %arg3[%add3A_69] : memref<327680xi32, #tpu.memory_space<hbm>> -> memref<128xi32, #tpu.memory_space<hbm>>
        tpu.wait_dma2 semaphore(%run_scoped3A : memref<!tpu.dma_semaphore, #tpu.memory_space<semaphore_mem>>) src(%dma_wait3A_88 : memref<128xi32, #tpu.memory_space<hbm>>) dst(%arg8 : memref<128xi32, #tpu.memory_space<vmem>>)
        tpu.yield
      }) : () -> ()
      "tpu.region"() ({
        %run_scoped3A = tpu.sem_alloc : memref<!tpu.dma_semaphore, #tpu.memory_space<semaphore_mem>>
        %dma_start3A_85 = tpu.memref_slice %arg4[%add3A_69] : memref<327680xi32, #tpu.memory_space<hbm>> -> memref<128xi32, #tpu.memory_space<hbm>>
        %dma_start3A_86 = tpu.memref_slice %arg4[%add3A_69] : memref<327680xi32, #tpu.memory_space<hbm>> -> memref<128xi32, #tpu.memory_space<hbm>>
        tpu.enqueue_dma source(%dma_start3A_86 : memref<128xi32, #tpu.memory_space<hbm>>) target(%arg9 : memref<128xi32, #tpu.memory_space<vmem>>) target_semaphore(%run_scoped3A : memref<!tpu.dma_semaphore, #tpu.memory_space<semaphore_mem>>)
        %dma_wait3A_87 = tpu.memref_slice %arg4[%add3A_69] : memref<327680xi32, #tpu.memory_space<hbm>> -> memref<128xi32, #tpu.memory_space<hbm>>
        %dma_wait3A_88 = tpu.memref_slice %arg4[%add3A_69] : memref<327680xi32, #tpu.memory_space<hbm>> -> memref<128xi32, #tpu.memory_space<hbm>>
        tpu.wait_dma2 semaphore(%run_scoped3A : memref<!tpu.dma_semaphore, #tpu.memory_space<semaphore_mem>>) src(%dma_wait3A_88 : memref<128xi32, #tpu.memory_space<hbm>>) dst(%arg9 : memref<128xi32, #tpu.memory_space<vmem>>)
        tpu.yield
      }) : () -> ()
      %dma_start3A_70 = arith.constant 0 : i32
      %dma_start3A_71 = arith.constant 0 : i32
      %dma_start3A_72 = tpu.memref_slice %arg2[%dma_start3A_70, %dma_start3A_71] : memref<10000x128xf32, #tpu.memory_space<hbm>> -> memref<10000x128xf32, #tpu.memory_space<hbm>>
      tpu.enqueue_indirect_dma source(%dma_start3A_72 : memref<10000x128xf32, #tpu.memory_space<hbm>>) target(%arg11 : memref<128x128xf32, #tpu.memory_space<vmem>>) offsets(%arg8 : memref<128xi32, #tpu.memory_space<vmem>>) semaphore(%arg14 : memref<!tpu.dma_semaphore, #tpu.memory_space<semaphore_mem>>)
      %dma_wait3A = arith.constant 0 : i32
      %dma_wait3A_73 = arith.constant 0 : i32
      %dma_wait3A_74 = tpu.memref_slice %arg2[%dma_wait3A, %dma_wait3A_73] : memref<10000x128xf32, #tpu.memory_space<hbm>> -> memref<128x128xf32, #tpu.memory_space<hbm>>
      %dma_wait3A_75 = arith.constant 0 : i32
      %dma_wait3A_76 = arith.constant 0 : i32
      %dma_wait3A_77 = tpu.memref_slice %arg2[%dma_wait3A_75, %dma_wait3A_76] : memref<10000x128xf32, #tpu.memory_space<hbm>> -> memref<128x128xf32, #tpu.memory_space<hbm>>
      tpu.wait_dma2 semaphore(%arg13 : memref<!tpu.dma_semaphore, #tpu.memory_space<semaphore_mem>>) src(%dma_wait3A_77 : memref<128x128xf32, #tpu.memory_space<hbm>>) dst(%arg10 : memref<128x128xf32, #tpu.memory_space<vmem>>)
      "tpu.region"() ({
        %run_scoped3A = tpu.sem_alloc : memref<!tpu.dma_semaphore, #tpu.memory_space<semaphore_mem>>
        %dma_start3A_85 = arith.constant 0 : i32
        %dma_start3A_86 = arith.constant 0 : i32
        %dma_start3A_87 = tpu.memref_slice %arg12[%dma_start3A_85, %dma_start3A_86] : memref<10128x128xf32, #tpu.memory_space<vmem_shared>> -> memref<10128x128xf32, #tpu.memory_space<vmem_shared>>
        tpu.enqueue_indirect_dma source(%arg10 : memref<128x128xf32, #tpu.memory_space<vmem>>) target(%dma_start3A_87 : memref<10128x128xf32, #tpu.memory_space<vmem_shared>>) offsets(%arg7 : memref<128xi32, #tpu.memory_space<vmem>>) semaphore(%run_scoped3A : memref<!tpu.dma_semaphore, #tpu.memory_space<semaphore_mem>>) {add = true}
        %dma_wait3A_88 = arith.constant 0 : i32
        %dma_wait3A_89 = arith.constant 0 : i32
        %dma_wait3A_90 = tpu.memref_slice %arg12[%dma_wait3A_88, %dma_wait3A_89] : memref<10128x128xf32, #tpu.memory_space<vmem_shared>> -> memref<10128x128xf32, #tpu.memory_space<vmem_shared>>
        tpu.wait_indirect_dma semaphore(%run_scoped3A : memref<!tpu.dma_semaphore, #tpu.memory_space<semaphore_mem>>) src(%arg10 : memref<128x128xf32, #tpu.memory_space<vmem>>) dst(%dma_wait3A_90 : memref<10128x128xf32, #tpu.memory_space<vmem_shared>>)
        tpu.yield
      }) : () -> ()
      %dma_wait3A_78 = arith.constant 0 : i32
      %dma_wait3A_79 = arith.constant 0 : i32
      %dma_wait3A_80 = tpu.memref_slice %arg2[%dma_wait3A_78, %dma_wait3A_79] : memref<10000x128xf32, #tpu.memory_space<hbm>> -> memref<128x128xf32, #tpu.memory_space<hbm>>
      %dma_wait3A_81 = arith.constant 0 : i32
      %dma_wait3A_82 = arith.constant 0 : i32
      %dma_wait3A_83 = tpu.memref_slice %arg2[%dma_wait3A_81, %dma_wait3A_82] : memref<10000x128xf32, #tpu.memory_space<hbm>> -> memref<128x128xf32, #tpu.memory_space<hbm>>
      tpu.wait_dma2 semaphore(%arg14 : memref<!tpu.dma_semaphore, #tpu.memory_space<semaphore_mem>>) src(%dma_wait3A_83 : memref<128x128xf32, #tpu.memory_space<hbm>>) dst(%arg11 : memref<128x128xf32, #tpu.memory_space<vmem>>)
      "tpu.region"() ({
        %run_scoped3A = tpu.sem_alloc : memref<!tpu.dma_semaphore, #tpu.memory_space<semaphore_mem>>
        %dma_start3A_85 = arith.constant 0 : i32
        %dma_start3A_86 = arith.constant 0 : i32
        %dma_start3A_87 = tpu.memref_slice %arg12[%dma_start3A_85, %dma_start3A_86] : memref<10128x128xf32, #tpu.memory_space<vmem_shared>> -> memref<10128x128xf32, #tpu.memory_space<vmem_shared>>
        tpu.enqueue_indirect_dma source(%arg11 : memref<128x128xf32, #tpu.memory_space<vmem>>) target(%dma_start3A_87 : memref<10128x128xf32, #tpu.memory_space<vmem_shared>>) offsets(%arg9 : memref<128xi32, #tpu.memory_space<vmem>>) semaphore(%run_scoped3A : memref<!tpu.dma_semaphore, #tpu.memory_space<semaphore_mem>>) {add = true}
        %dma_wait3A_88 = arith.constant 0 : i32
        %dma_wait3A_89 = arith.constant 0 : i32
        %dma_wait3A_90 = tpu.memref_slice %arg12[%dma_wait3A_88, %dma_wait3A_89] : memref<10128x128xf32, #tpu.memory_space<vmem_shared>> -> memref<10128x128xf32, #tpu.memory_space<vmem_shared>>
        tpu.wait_indirect_dma semaphore(%run_scoped3A : memref<!tpu.dma_semaphore, #tpu.memory_space<semaphore_mem>>) src(%arg11 : memref<128x128xf32, #tpu.memory_space<vmem>>) dst(%dma_wait3A_90 : memref<10128x128xf32, #tpu.memory_space<vmem_shared>>)
        tpu.yield
      }) : () -> ()
      %while3A_84 = arith.constant 0 : i32
      scf.yield %while3A_84 : i32
    }
    %while3A_51 = arith.constant 1 : i32
    %while3A_52 = scf.for %while3A_59 = %while3A_48 to %while3A_44 step %while3A_51 iter_args(%while3A_60 = %while3A_50) -> (i32)  : i32 {
      %mul3A_61 = arith.constant 2 : i32
      %mul3A_62 = arith.muli %mul3A_61, %while3A_59 : i32
      %add3A_63 = arith.addi %mul3A_24, %mul3A_62 : i32
      %mul3A_64 = arith.constant 128 : i32
      %mul3A_65 = arith.muli %add3A_63, %mul3A_64 : i32
      "tpu.region"() ({
        %run_scoped3A = tpu.sem_alloc : memref<!tpu.dma_semaphore, #tpu.memory_space<semaphore_mem>>
        %dma_start3A_85 = tpu.memref_slice %arg3[%mul3A_65] : memref<327680xi32, #tpu.memory_space<hbm>> -> memref<128xi32, #tpu.memory_space<hbm>>
        %dma_start3A_86 = tpu.memref_slice %arg3[%mul3A_65] : memref<327680xi32, #tpu.memory_space<hbm>> -> memref<128xi32, #tpu.memory_space<hbm>>
        tpu.enqueue_dma source(%dma_start3A_86 : memref<128xi32, #tpu.memory_space<hbm>>) target(%arg6 : memref<128xi32, #tpu.memory_space<vmem>>) target_semaphore(%run_scoped3A : memref<!tpu.dma_semaphore, #tpu.memory_space<semaphore_mem>>)
        %dma_wait3A_87 = tpu.memref_slice %arg3[%mul3A_65] : memref<327680xi32, #tpu.memory_space<hbm>> -> memref<128xi32, #tpu.memory_space<hbm>>
        %dma_wait3A_88 = tpu.memref_slice %arg3[%mul3A_65] : memref<327680xi32, #tpu.memory_space<hbm>> -> memref<128xi32, #tpu.memory_space<hbm>>
        tpu.wait_dma2 semaphore(%run_scoped3A : memref<!tpu.dma_semaphore, #tpu.memory_space<semaphore_mem>>) src(%dma_wait3A_88 : memref<128xi32, #tpu.memory_space<hbm>>) dst(%arg6 : memref<128xi32, #tpu.memory_space<vmem>>)
        tpu.yield
      }) : () -> ()
      "tpu.region"() ({
        %run_scoped3A = tpu.sem_alloc : memref<!tpu.dma_semaphore, #tpu.memory_space<semaphore_mem>>
        %dma_start3A_85 = tpu.memref_slice %arg4[%mul3A_65] : memref<327680xi32, #tpu.memory_space<hbm>> -> memref<128xi32, #tpu.memory_space<hbm>>
        %dma_start3A_86 = tpu.memref_slice %arg4[%mul3A_65] : memref<327680xi32, #tpu.memory_space<hbm>> -> memref<128xi32, #tpu.memory_space<hbm>>
        tpu.enqueue_dma source(%dma_start3A_86 : memref<128xi32, #tpu.memory_space<hbm>>) target(%arg7 : memref<128xi32, #tpu.memory_space<vmem>>) target_semaphore(%run_scoped3A : memref<!tpu.dma_semaphore, #tpu.memory_space<semaphore_mem>>)
        %dma_wait3A_87 = tpu.memref_slice %arg4[%mul3A_65] : memref<327680xi32, #tpu.memory_space<hbm>> -> memref<128xi32, #tpu.memory_space<hbm>>
        %dma_wait3A_88 = tpu.memref_slice %arg4[%mul3A_65] : memref<327680xi32, #tpu.memory_space<hbm>> -> memref<128xi32, #tpu.memory_space<hbm>>
        tpu.wait_dma2 semaphore(%run_scoped3A : memref<!tpu.dma_semaphore, #tpu.memory_space<semaphore_mem>>) src(%dma_wait3A_88 : memref<128xi32, #tpu.memory_space<hbm>>) dst(%arg7 : memref<128xi32, #tpu.memory_space<vmem>>)
        tpu.yield
      }) : () -> ()
      %dma_start3A = arith.constant 0 : i32
      %dma_start3A_66 = arith.constant 0 : i32
      %dma_start3A_67 = tpu.memref_slice %arg2[%dma_start3A, %dma_start3A_66] : memref<10000x128xf32, #tpu.memory_space<hbm>> -> memref<10000x128xf32, #tpu.memory_space<hbm>>
      tpu.enqueue_indirect_dma source(%dma_start3A_67 : memref<10000x128xf32, #tpu.memory_space<hbm>>) target(%arg10 : memref<128x128xf32, #tpu.memory_space<vmem>>) offsets(%arg6 : memref<128xi32, #tpu.memory_space<vmem>>) semaphore(%arg13 : memref<!tpu.dma_semaphore, #tpu.memory_space<semaphore_mem>>)
      %add3A_68 = arith.constant 128 : i32
      %add3A_69 = arith.addi %mul3A_65, %add3A_68 : i32
      "tpu.region"() ({
        %run_scoped3A = tpu.sem_alloc : memref<!tpu.dma_semaphore, #tpu.memory_space<semaphore_mem>>
        %dma_start3A_85 = tpu.memref_slice %arg3[%add3A_69] : memref<327680xi32, #tpu.memory_space<hbm>> -> memref<128xi32, #tpu.memory_space<hbm>>
        %dma_start3A_86 = tpu.memref_slice %arg3[%add3A_69] : memref<327680xi32, #tpu.memory_space<hbm>> -> memref<128xi32, #tpu.memory_space<hbm>>
        tpu.enqueue_dma source(%dma_start3A_86 : memref<128xi32, #tpu.memory_space<hbm>>) target(%arg8 : memref<128xi32, #tpu.memory_space<vmem>>) target_semaphore(%run_scoped3A : memref<!tpu.dma_semaphore, #tpu.memory_space<semaphore_mem>>)
        %dma_wait3A_87 = tpu.memref_slice %arg3[%add3A_69] : memref<327680xi32, #tpu.memory_space<hbm>> -> memref<128xi32, #tpu.memory_space<hbm>>
        %dma_wait3A_88 = tpu.memref_slice %arg3[%add3A_69] : memref<327680xi32, #tpu.memory_space<hbm>> -> memref<128xi32, #tpu.memory_space<hbm>>
        tpu.wait_dma2 semaphore(%run_scoped3A : memref<!tpu.dma_semaphore, #tpu.memory_space<semaphore_mem>>) src(%dma_wait3A_88 : memref<128xi32, #tpu.memory_space<hbm>>) dst(%arg8 : memref<128xi32, #tpu.memory_space<vmem>>)
        tpu.yield
      }) : () -> ()
      "tpu.region"() ({
        %run_scoped3A = tpu.sem_alloc : memref<!tpu.dma_semaphore, #tpu.memory_space<semaphore_mem>>
        %dma_start3A_85 = tpu.memref_slice %arg4[%add3A_69] : memref<327680xi32, #tpu.memory_space<hbm>> -> memref<128xi32, #tpu.memory_space<hbm>>
        %dma_start3A_86 = tpu.memref_slice %arg4[%add3A_69] : memref<327680xi32, #tpu.memory_space<hbm>> -> memref<128xi32, #tpu.memory_space<hbm>>
        tpu.enqueue_dma source(%dma_start3A_86 : memref<128xi32, #tpu.memory_space<hbm>>) target(%arg9 : memref<128xi32, #tpu.memory_space<vmem>>) target_semaphore(%run_scoped3A : memref<!tpu.dma_semaphore, #tpu.memory_space<semaphore_mem>>)
        %dma_wait3A_87 = tpu.memref_slice %arg4[%add3A_69] : memref<327680xi32, #tpu.memory_space<hbm>> -> memref<128xi32, #tpu.memory_space<hbm>>
        %dma_wait3A_88 = tpu.memref_slice %arg4[%add3A_69] : memref<327680xi32, #tpu.memory_space<hbm>> -> memref<128xi32, #tpu.memory_space<hbm>>
        tpu.wait_dma2 semaphore(%run_scoped3A : memref<!tpu.dma_semaphore, #tpu.memory_space<semaphore_mem>>) src(%dma_wait3A_88 : memref<128xi32, #tpu.memory_space<hbm>>) dst(%arg9 : memref<128xi32, #tpu.memory_space<vmem>>)
        tpu.yield
      }) : () -> ()
      %dma_start3A_70 = arith.constant 0 : i32
      %dma_start3A_71 = arith.constant 0 : i32
      %dma_start3A_72 = tpu.memref_slice %arg2[%dma_start3A_70, %dma_start3A_71] : memref<10000x128xf32, #tpu.memory_space<hbm>> -> memref<10000x128xf32, #tpu.memory_space<hbm>>
      tpu.enqueue_indirect_dma source(%dma_start3A_72 : memref<10000x128xf32, #tpu.memory_space<hbm>>) target(%arg11 : memref<128x128xf32, #tpu.memory_space<vmem>>) offsets(%arg8 : memref<128xi32, #tpu.memory_space<vmem>>) semaphore(%arg14 : memref<!tpu.dma_semaphore, #tpu.memory_space<semaphore_mem>>)
      %dma_wait3A = arith.constant 0 : i32
      %dma_wait3A_73 = arith.constant 0 : i32
      %dma_wait3A_74 = tpu.memref_slice %arg2[%dma_wait3A, %dma_wait3A_73] : memref<10000x128xf32, #tpu.memory_space<hbm>> -> memref<128x128xf32, #tpu.memory_space<hbm>>
      %dma_wait3A_75 = arith.constant 0 : i32
      %dma_wait3A_76 = arith.constant 0 : i32
      %dma_wait3A_77 = tpu.memref_slice %arg2[%dma_wait3A_75, %dma_wait3A_76] : memref<10000x128xf32, #tpu.memory_space<hbm>> -> memref<128x128xf32, #tpu.memory_space<hbm>>
      tpu.wait_dma2 semaphore(%arg13 : memref<!tpu.dma_semaphore, #tpu.memory_space<semaphore_mem>>) src(%dma_wait3A_77 : memref<128x128xf32, #tpu.memory_space<hbm>>) dst(%arg10 : memref<128x128xf32, #tpu.memory_space<vmem>>)
      "tpu.region"() ({
        %run_scoped3A = tpu.sem_alloc : memref<!tpu.dma_semaphore, #tpu.memory_space<semaphore_mem>>
        %dma_start3A_85 = arith.constant 0 : i32
        %dma_start3A_86 = arith.constant 0 : i32
        %dma_start3A_87 = tpu.memref_slice %arg12[%dma_start3A_85, %dma_start3A_86] : memref<10128x128xf32, #tpu.memory_space<vmem_shared>> -> memref<10128x128xf32, #tpu.memory_space<vmem_shared>>
        tpu.enqueue_indirect_dma source(%arg10 : memref<128x128xf32, #tpu.memory_space<vmem>>) target(%dma_start3A_87 : memref<10128x128xf32, #tpu.memory_space<vmem_shared>>) offsets(%arg7 : memref<128xi32, #tpu.memory_space<vmem>>) semaphore(%run_scoped3A : memref<!tpu.dma_semaphore, #tpu.memory_space<semaphore_mem>>) {add = true}
        %dma_wait3A_88 = arith.constant 0 : i32
        %dma_wait3A_89 = arith.constant 0 : i32
        %dma_wait3A_90 = tpu.memref_slice %arg12[%dma_wait3A_88, %dma_wait3A_89] : memref<10128x128xf32, #tpu.memory_space<vmem_shared>> -> memref<10128x128xf32, #tpu.memory_space<vmem_shared>>
        tpu.wait_indirect_dma semaphore(%run_scoped3A : memref<!tpu.dma_semaphore, #tpu.memory_space<semaphore_mem>>) src(%arg10 : memref<128x128xf32, #tpu.memory_space<vmem>>) dst(%dma_wait3A_90 : memref<10128x128xf32, #tpu.memory_space<vmem_shared>>)
        tpu.yield
      }) : () -> ()
      %dma_wait3A_78 = arith.constant 0 : i32
      %dma_wait3A_79 = arith.constant 0 : i32
      %dma_wait3A_80 = tpu.memref_slice %arg2[%dma_wait3A_78, %dma_wait3A_79] : memref<10000x128xf32, #tpu.memory_space<hbm>> -> memref<128x128xf32, #tpu.memory_space<hbm>>
      %dma_wait3A_81 = arith.constant 0 : i32
      %dma_wait3A_82 = arith.constant 0 : i32
      %dma_wait3A_83 = tpu.memref_slice %arg2[%dma_wait3A_81, %dma_wait3A_82] : memref<10000x128xf32, #tpu.memory_space<hbm>> -> memref<128x128xf32, #tpu.memory_space<hbm>>
      tpu.wait_dma2 semaphore(%arg14 : memref<!tpu.dma_semaphore, #tpu.memory_space<semaphore_mem>>) src(%dma_wait3A_83 : memref<128x128xf32, #tpu.memory_space<hbm>>) dst(%arg11 : memref<128x128xf32, #tpu.memory_space<vmem>>)
      "tpu.region"() ({
        %run_scoped3A = tpu.sem_alloc : memref<!tpu.dma_semaphore, #tpu.memory_space<semaphore_mem>>
        %dma_start3A_85 = arith.constant 0 : i32
        %dma_start3A_86 = arith.constant 0 : i32
        %dma_start3A_87 = tpu.memref_slice %arg12[%dma_start3A_85, %dma_start3A_86] : memref<10128x128xf32, #tpu.memory_space<vmem_shared>> -> memref<10128x128xf32, #tpu.memory_space<vmem_shared>>
        tpu.enqueue_indirect_dma source(%arg11 : memref<128x128xf32, #tpu.memory_space<vmem>>) target(%dma_start3A_87 : memref<10128x128xf32, #tpu.memory_space<vmem_shared>>) offsets(%arg9 : memref<128xi32, #tpu.memory_space<vmem>>) semaphore(%run_scoped3A : memref<!tpu.dma_semaphore, #tpu.memory_space<semaphore_mem>>) {add = true}
        %dma_wait3A_88 = arith.constant 0 : i32
        %dma_wait3A_89 = arith.constant 0 : i32
        %dma_wait3A_90 = tpu.memref_slice %arg12[%dma_wait3A_88, %dma_wait3A_89] : memref<10128x128xf32, #tpu.memory_space<vmem_shared>> -> memref<10128x128xf32, #tpu.memory_space<vmem_shared>>
        tpu.wait_indirect_dma semaphore(%run_scoped3A : memref<!tpu.dma_semaphore, #tpu.memory_space<semaphore_mem>>) src(%arg11 : memref<128x128xf32, #tpu.memory_space<vmem>>) dst(%dma_wait3A_90 : memref<10128x128xf32, #tpu.memory_space<vmem_shared>>)
        tpu.yield
      }) : () -> ()
      %while3A_84 = arith.constant 0 : i32
      scf.yield %while3A_84 : i32
    }
    %barrier3A_53 = arith.constant 0 : index
    tpu.barrier barrier_id(%barrier3A_53)
    "tpu.region"() ({
      %run_scoped3A = tpu.sem_alloc : memref<!tpu.dma_semaphore, #tpu.memory_space<semaphore_mem>>
      %dma_start3A = arith.constant 0 : i32
      %dma_start3A_59 = tpu.memref_slice %arg5[%arg0, %mul3A_22, %dma_start3A] : memref<2x10000x128xf32, #tpu.memory_space<hbm>> -> memref<1x624x128xf32, #tpu.memory_space<hbm>>
      %dma_start3A_60 = tpu.memref_squeeze %dma_start3A_59 : memref<1x624x128xf32, #tpu.memory_space<hbm>> -> memref<624x128xf32, #tpu.memory_space<hbm>>
      %dma_start3A_61 = arith.constant 0 : i32
      %dma_start3A_62 = tpu.memref_slice %arg12[%mul3A_22, %dma_start3A_61] : memref<10128x128xf32, #tpu.memory_space<vmem_shared>> -> memref<624x128xf32, #tpu.memory_space<vmem_shared>>
      tpu.enqueue_dma source(%dma_start3A_62 : memref<624x128xf32, #tpu.memory_space<vmem_shared>>) target(%dma_start3A_60 : memref<624x128xf32, #tpu.memory_space<hbm>>) target_semaphore(%run_scoped3A : memref<!tpu.dma_semaphore, #tpu.memory_space<semaphore_mem>>)
      %dma_wait3A = arith.constant 0 : i32
      %dma_wait3A_63 = tpu.memref_slice %arg5[%arg0, %mul3A_22, %dma_wait3A] : memref<2x10000x128xf32, #tpu.memory_space<hbm>> -> memref<1x624x128xf32, #tpu.memory_space<hbm>>
      %dma_wait3A_64 = tpu.memref_squeeze %dma_wait3A_63 : memref<1x624x128xf32, #tpu.memory_space<hbm>> -> memref<624x128xf32, #tpu.memory_space<hbm>>
      %dma_wait3A_65 = arith.constant 0 : i32
      %dma_wait3A_66 = tpu.memref_slice %arg12[%mul3A_22, %dma_wait3A_65] : memref<10128x128xf32, #tpu.memory_space<vmem_shared>> -> memref<624x128xf32, #tpu.memory_space<vmem_shared>>
      tpu.wait_dma2 semaphore(%run_scoped3A : memref<!tpu.dma_semaphore, #tpu.memory_space<semaphore_mem>>) src(%dma_wait3A_66 : memref<624x128xf32, #tpu.memory_space<vmem_shared>>) dst(%dma_wait3A_64 : memref<624x128xf32, #tpu.memory_space<hbm>>)
      tpu.yield
    }) : () -> ()
    %eq3A_54 = arith.constant 0 : i32
    %eq3A_55 = arith.cmpi eq, %arg1, %eq3A_54 : i32
    %convert_element_type3A_56 = arith.extui %eq3A_55 : i1 to i32
    %cond3A_57 = arith.constant 0 : i32
    %cond3A_58 = arith.cmpi ne, %convert_element_type3A_56, %cond3A_57 : i32
    scf.if %cond3A_58 {
      "tpu.region"() ({
        %run_scoped3A = tpu.sem_alloc : memref<!tpu.dma_semaphore, #tpu.memory_space<semaphore_mem>>
        %dma_start3A = arith.constant 9984 : i32
        %dma_start3A_59 = arith.constant 0 : i32
        %dma_start3A_60 = tpu.memref_slice %arg5[%arg0, %dma_start3A, %dma_start3A_59] : memref<2x10000x128xf32, #tpu.memory_space<hbm>> -> memref<1x16x128xf32, #tpu.memory_space<hbm>>
        %dma_start3A_61 = tpu.memref_squeeze %dma_start3A_60 : memref<1x16x128xf32, #tpu.memory_space<hbm>> -> memref<16x128xf32, #tpu.memory_space<hbm>>
        %dma_start3A_62 = arith.constant 9984 : i32
        %dma_start3A_63 = arith.constant 0 : i32
        %dma_start3A_64 = tpu.memref_slice %arg12[%dma_start3A_62, %dma_start3A_63] : memref<10128x128xf32, #tpu.memory_space<vmem_shared>> -> memref<16x128xf32, #tpu.memory_space<vmem_shared>>
        tpu.enqueue_dma source(%dma_start3A_64 : memref<16x128xf32, #tpu.memory_space<vmem_shared>>) target(%dma_start3A_61 : memref<16x128xf32, #tpu.memory_space<hbm>>) target_semaphore(%run_scoped3A : memref<!tpu.dma_semaphore, #tpu.memory_space<semaphore_mem>>)
        %dma_wait3A = arith.constant 9984 : i32
        %dma_wait3A_65 = arith.constant 0 : i32
        %dma_wait3A_66 = tpu.memref_slice %arg5[%arg0, %dma_wait3A, %dma_wait3A_65] : memref<2x10000x128xf32, #tpu.memory_space<hbm>> -> memref<1x16x128xf32, #tpu.memory_space<hbm>>
        %dma_wait3A_67 = tpu.memref_squeeze %dma_wait3A_66 : memref<1x16x128xf32, #tpu.memory_space<hbm>> -> memref<16x128xf32, #tpu.memory_space<hbm>>
        %dma_wait3A_68 = arith.constant 9984 : i32
        %dma_wait3A_69 = arith.constant 0 : i32
        %dma_wait3A_70 = tpu.memref_slice %arg12[%dma_wait3A_68, %dma_wait3A_69] : memref<10128x128xf32, #tpu.memory_space<vmem_shared>> -> memref<16x128xf32, #tpu.memory_space<vmem_shared>>
        tpu.wait_dma2 semaphore(%run_scoped3A : memref<!tpu.dma_semaphore, #tpu.memory_space<semaphore_mem>>) src(%dma_wait3A_70 : memref<16x128xf32, #tpu.memory_space<vmem_shared>>) dst(%dma_wait3A_67 : memref<16x128xf32, #tpu.memory_space<hbm>>)
        tpu.yield
      }) : () -> ()
    } else {
    }
    return
  }
}

#map = affine_map<(d0, d1) -> (0, 0)>
#map1 = affine_map<(d0, d1) -> (0)>
#map2 = affine_map<(d0, d1) -> (0, 0, 0)>
module attributes {stable_mosaic.version = 14 : i64} {
  func.func @_edge_scatter_add(%arg0: i32, %arg1: i32, %arg2: memref<10000x128xf32, #tpu.memory_space<hbm>>, %arg3: memref<327680xi32, #tpu.memory_space<hbm>>, %arg4: memref<327680xi32, #tpu.memory_space<hbm>>, %arg5: memref<2x10000x128xf32, #tpu.memory_space<hbm>>, %arg6: memref<128xi32, #tpu.memory_space<vmem>>, %arg7: memref<128xi32, #tpu.memory_space<vmem>>, %arg8: memref<128xi32, #tpu.memory_space<vmem>>, %arg9: memref<128xi32, #tpu.memory_space<vmem>>, %arg10: memref<128x128xf32, #tpu.memory_space<vmem>>, %arg11: memref<128x128xf32, #tpu.memory_space<vmem>>, %arg12: memref<10128x128xf32, #tpu.memory_space<vmem_shared>>, %arg13: memref<!tpu.dma_semaphore, #tpu.memory_space<semaphore_mem>>, %arg14: memref<!tpu.dma_semaphore, #tpu.memory_space<semaphore_mem>>) attributes {dimension_semantics = [#tpu.dimension_semantics<core_parallel>, #tpu.dimension_semantics<subcore_parallel>], iteration_bounds = array<i64: 2, 16>, scalar_prefetch = 0 : i64, scratch_operands = 9 : i64, tpu.core_type = #tpu.core_type<sc_vector_subcore>, window_params = [{transform_indices = #map}, {transform_indices = #map1}, {transform_indices = #map1}, {transform_indices = #map2}]} {
    %mul3A = arith.constant 2 : i32
    %mul3A_0 = arith.muli %arg1, %mul3A : i32
    %add3A = arith.addi %mul3A_0, %arg0 : i32
    %scan3A = arith.constant 0 : i32
    %scan3A_1 = arith.constant 0 : i32
    %scan3A_2 = arith.constant 128 : i32
    %scan3A_3 = arith.addi %scan3A_1, %scan3A_2 : i32
    %scan3A_4 = arith.constant 1 : i32
    %scan3A_5 = scf.for %scan3A_59 = %scan3A_1 to %scan3A_3 step %scan3A_4 iter_args(%scan3A_60 = %scan3A) -> (i32)  : i32 {
      %scan3A_61 = arith.constant 0 : i32
      %scan3A_62 = arith.constant 0 : i32
      %scan3A_63 = arith.constant 8 : i32
      %scan3A_64 = arith.addi %scan3A_62, %scan3A_63 : i32
      %scan3A_65 = arith.constant 1 : i32
      %scan3A_66 = scf.for %scan3A_68 = %scan3A_62 to %scan3A_64 step %scan3A_65 iter_args(%scan3A_69 = %scan3A_61) -> (i32)  : i32 {
        %broadcast_in_dim3A = arith.constant 0.000000e+00 : f32
        %broadcast_in_dim3A_70 = vector.broadcast %broadcast_in_dim3A : f32 to vector<16xf32>
        %mul3A_71 = arith.constant 16 : i32
        %mul3A_72 = arith.muli %scan3A_68, %mul3A_71 : i32
        %swap3A = arith.index_cast %scan3A_59 : i32 to index
        %swap3A_73 = arith.index_cast %mul3A_72 : i32 to index
        %swap3A_74 = tpu.vector_load %arg10[%swap3A, %swap3A_73] {strides = array<i32>} : memref<128x128xf32, #tpu.memory_space<vmem>>, vector<1x16xf32>,
        %swap3A_75 = vector.shape_cast %swap3A_74 : vector<1x16xf32> to vector<16xf32>
        %swap3A_76 = vector.shape_cast %broadcast_in_dim3A_70 : vector<16xf32> to vector<1x16xf32>
        tpu.vector_store %arg10[%swap3A, %swap3A_73], %swap3A_76 {strides = array<i32>} : memref<128x128xf32, #tpu.memory_space<vmem>>, vector<1x16xf32>,
        %scan3A_77 = arith.constant 0 : i32
        scf.yield %scan3A_77 : i32
      }
      %scan3A_67 = arith.constant 8 : i32
      scf.yield %scan3A_66 : i32
    }
    %scan3A_6 = arith.constant 128 : i32
    %mul3A_7 = arith.constant 632 : i32
    %mul3A_8 = arith.muli %arg1, %mul3A_7 : i32
    %add3A_9 = arith.constant 0 : i32
    %add3A_10 = arith.addi %mul3A_8, %add3A_9 : i32
    "tpu.region"() ({
      %run_scoped3A = tpu.sem_alloc : memref<!tpu.dma_semaphore, #tpu.memory_space<semaphore_mem>>
      %dma_start3A = arith.constant 0 : i32
      %dma_start3A_59 = tpu.memref_slice %arg12[%add3A_10, %dma_start3A] : memref<10128x128xf32, #tpu.memory_space<vmem_shared>> -> memref<128x128xf32, #tpu.memory_space<vmem_shared>>
      %dma_start3A_60 = arith.constant 0 : i32
      %dma_start3A_61 = tpu.memref_slice %arg12[%add3A_10, %dma_start3A_60] : memref<10128x128xf32, #tpu.memory_space<vmem_shared>> -> memref<128x128xf32, #tpu.memory_space<vmem_shared>>
      tpu.enqueue_dma source(%arg10 : memref<128x128xf32, #tpu.memory_space<vmem>>) target(%dma_start3A_61 : memref<128x128xf32, #tpu.memory_space<vmem_shared>>) target_semaphore(%run_scoped3A : memref<!tpu.dma_semaphore, #tpu.memory_space<semaphore_mem>>)
      %dma_wait3A = arith.constant 0 : i32
      %dma_wait3A_62 = tpu.memref_slice %arg12[%add3A_10, %dma_wait3A] : memref<10128x128xf32, #tpu.memory_space<vmem_shared>> -> memref<128x128xf32, #tpu.memory_space<vmem_shared>>
      %dma_wait3A_63 = arith.constant 0 : i32
      %dma_wait3A_64 = tpu.memref_slice %arg12[%add3A_10, %dma_wait3A_63] : memref<10128x128xf32, #tpu.memory_space<vmem_shared>> -> memref<128x128xf32, #tpu.memory_space<vmem_shared>>
      tpu.wait_dma2 semaphore(%run_scoped3A : memref<!tpu.dma_semaphore, #tpu.memory_space<semaphore_mem>>) src(%arg10 : memref<128x128xf32, #tpu.memory_space<vmem>>) dst(%dma_wait3A_64 : memref<128x128xf32, #tpu.memory_space<vmem_shared>>)
      tpu.yield
    }) : () -> ()
    %add3A_11 = arith.constant 128 : i32
    %add3A_12 = arith.addi %mul3A_8, %add3A_11 : i32
    "tpu.region"() ({
      %run_scoped3A = tpu.sem_alloc : memref<!tpu.dma_semaphore, #tpu.memory_space<semaphore_mem>>
      %dma_start3A = arith.constant 0 : i32
      %dma_start3A_59 = tpu.memref_slice %arg12[%add3A_12, %dma_start3A] : memref<10128x128xf32, #tpu.memory_space<vmem_shared>> -> memref<128x128xf32, #tpu.memory_space<vmem_shared>>
      %dma_start3A_60 = arith.constant 0 : i32
      %dma_start3A_61 = tpu.memref_slice %arg12[%add3A_12, %dma_start3A_60] : memref<10128x128xf32, #tpu.memory_space<vmem_shared>> -> memref<128x128xf32, #tpu.memory_space<vmem_shared>>
      tpu.enqueue_dma source(%arg10 : memref<128x128xf32, #tpu.memory_space<vmem>>) target(%dma_start3A_61 : memref<128x128xf32, #tpu.memory_space<vmem_shared>>) target_semaphore(%run_scoped3A : memref<!tpu.dma_semaphore, #tpu.memory_space<semaphore_mem>>)
      %dma_wait3A = arith.constant 0 : i32
      %dma_wait3A_62 = tpu.memref_slice %arg12[%add3A_12, %dma_wait3A] : memref<10128x128xf32, #tpu.memory_space<vmem_shared>> -> memref<128x128xf32, #tpu.memory_space<vmem_shared>>
      %dma_wait3A_63 = arith.constant 0 : i32
      %dma_wait3A_64 = tpu.memref_slice %arg12[%add3A_12, %dma_wait3A_63] : memref<10128x128xf32, #tpu.memory_space<vmem_shared>> -> memref<128x128xf32, #tpu.memory_space<vmem_shared>>
      tpu.wait_dma2 semaphore(%run_scoped3A : memref<!tpu.dma_semaphore, #tpu.memory_space<semaphore_mem>>) src(%arg10 : memref<128x128xf32, #tpu.memory_space<vmem>>) dst(%dma_wait3A_64 : memref<128x128xf32, #tpu.memory_space<vmem_shared>>)
      tpu.yield
    }) : () -> ()
    %add3A_13 = arith.constant 256 : i32
    %add3A_14 = arith.addi %mul3A_8, %add3A_13 : i32
    "tpu.region"() ({
      %run_scoped3A = tpu.sem_alloc : memref<!tpu.dma_semaphore, #tpu.memory_space<semaphore_mem>>
      %dma_start3A = arith.constant 0 : i32
      %dma_start3A_59 = tpu.memref_slice %arg12[%add3A_14, %dma_start3A] : memref<10128x128xf32, #tpu.memory_space<vmem_shared>> -> memref<128x128xf32, #tpu.memory_space<vmem_shared>>
      %dma_start3A_60 = arith.constant 0 : i32
      %dma_start3A_61 = tpu.memref_slice %arg12[%add3A_14, %dma_start3A_60] : memref<10128x128xf32, #tpu.memory_space<vmem_shared>> -> memref<128x128xf32, #tpu.memory_space<vmem_shared>>
      tpu.enqueue_dma source(%arg10 : memref<128x128xf32, #tpu.memory_space<vmem>>) target(%dma_start3A_61 : memref<128x128xf32, #tpu.memory_space<vmem_shared>>) target_semaphore(%run_scoped3A : memref<!tpu.dma_semaphore, #tpu.memory_space<semaphore_mem>>)
      %dma_wait3A = arith.constant 0 : i32
      %dma_wait3A_62 = tpu.memref_slice %arg12[%add3A_14, %dma_wait3A] : memref<10128x128xf32, #tpu.memory_space<vmem_shared>> -> memref<128x128xf32, #tpu.memory_space<vmem_shared>>
      %dma_wait3A_63 = arith.constant 0 : i32
      %dma_wait3A_64 = tpu.memref_slice %arg12[%add3A_14, %dma_wait3A_63] : memref<10128x128xf32, #tpu.memory_space<vmem_shared>> -> memref<128x128xf32, #tpu.memory_space<vmem_shared>>
      tpu.wait_dma2 semaphore(%run_scoped3A : memref<!tpu.dma_semaphore, #tpu.memory_space<semaphore_mem>>) src(%arg10 : memref<128x128xf32, #tpu.memory_space<vmem>>) dst(%dma_wait3A_64 : memref<128x128xf32, #tpu.memory_space<vmem_shared>>)
      tpu.yield
    }) : () -> ()
    %add3A_15 = arith.constant 384 : i32
    %add3A_16 = arith.addi %mul3A_8, %add3A_15 : i32
    "tpu.region"() ({
      %run_scoped3A = tpu.sem_alloc : memref<!tpu.dma_semaphore, #tpu.memory_space<semaphore_mem>>
      %dma_start3A = arith.constant 0 : i32
      %dma_start3A_59 = tpu.memref_slice %arg12[%add3A_16, %dma_start3A] : memref<10128x128xf32, #tpu.memory_space<vmem_shared>> -> memref<128x128xf32, #tpu.memory_space<vmem_shared>>
      %dma_start3A_60 = arith.constant 0 : i32
      %dma_start3A_61 = tpu.memref_slice %arg12[%add3A_16, %dma_start3A_60] : memref<10128x128xf32, #tpu.memory_space<vmem_shared>> -> memref<128x128xf32, #tpu.memory_space<vmem_shared>>
      tpu.enqueue_dma source(%arg10 : memref<128x128xf32, #tpu.memory_space<vmem>>) target(%dma_start3A_61 : memref<128x128xf32, #tpu.memory_space<vmem_shared>>) target_semaphore(%run_scoped3A : memref<!tpu.dma_semaphore, #tpu.memory_space<semaphore_mem>>)
      %dma_wait3A = arith.constant 0 : i32
      %dma_wait3A_62 = tpu.memref_slice %arg12[%add3A_16, %dma_wait3A] : memref<10128x128xf32, #tpu.memory_space<vmem_shared>> -> memref<128x128xf32, #tpu.memory_space<vmem_shared>>
      %dma_wait3A_63 = arith.constant 0 : i32
      %dma_wait3A_64 = tpu.memref_slice %arg12[%add3A_16, %dma_wait3A_63] : memref<10128x128xf32, #tpu.memory_space<vmem_shared>> -> memref<128x128xf32, #tpu.memory_space<vmem_shared>>
      tpu.wait_dma2 semaphore(%run_scoped3A : memref<!tpu.dma_semaphore, #tpu.memory_space<semaphore_mem>>) src(%arg10 : memref<128x128xf32, #tpu.memory_space<vmem>>) dst(%dma_wait3A_64 : memref<128x128xf32, #tpu.memory_space<vmem_shared>>)
      tpu.yield
    }) : () -> ()
    %add3A_17 = arith.constant 512 : i32
    %add3A_18 = arith.addi %mul3A_8, %add3A_17 : i32
    "tpu.region"() ({
      %run_scoped3A = tpu.sem_alloc : memref<!tpu.dma_semaphore, #tpu.memory_space<semaphore_mem>>
      %dma_start3A = arith.constant 0 : i32
      %dma_start3A_59 = arith.constant 0 : i32
      %dma_start3A_60 = tpu.memref_slice %arg10[%dma_start3A, %dma_start3A_59] : memref<128x128xf32, #tpu.memory_space<vmem>> -> memref<120x128xf32, #tpu.memory_space<vmem>>
      %dma_start3A_61 = arith.constant 0 : i32
      %dma_start3A_62 = tpu.memref_slice %arg12[%add3A_18, %dma_start3A_61] : memref<10128x128xf32, #tpu.memory_space<vmem_shared>> -> memref<120x128xf32, #tpu.memory_space<vmem_shared>>
      %dma_start3A_63 = arith.constant 0 : i32
      %dma_start3A_64 = tpu.memref_slice %arg12[%add3A_18, %dma_start3A_63] : memref<10128x128xf32, #tpu.memory_space<vmem_shared>> -> memref<120x128xf32, #tpu.memory_space<vmem_shared>>
      %dma_start3A_65 = arith.constant 0 : i32
      %dma_start3A_66 = arith.constant 0 : i32
      %dma_start3A_67 = tpu.memref_slice %arg10[%dma_start3A_65, %dma_start3A_66] : memref<128x128xf32, #tpu.memory_space<vmem>> -> memref<120x128xf32, #tpu.memory_space<vmem>>
      tpu.enqueue_dma source(%dma_start3A_67 : memref<120x128xf32, #tpu.memory_space<vmem>>) target(%dma_start3A_64 : memref<120x128xf32, #tpu.memory_space<vmem_shared>>) target_semaphore(%run_scoped3A : memref<!tpu.dma_semaphore, #tpu.memory_space<semaphore_mem>>)
      %dma_wait3A = arith.constant 0 : i32
      %dma_wait3A_68 = arith.constant 0 : i32
      %dma_wait3A_69 = tpu.memref_slice %arg10[%dma_wait3A, %dma_wait3A_68] : memref<128x128xf32, #tpu.memory_space<vmem>> -> memref<120x128xf32, #tpu.memory_space<vmem>>
      %dma_wait3A_70 = arith.constant 0 : i32
      %dma_wait3A_71 = tpu.memref_slice %arg12[%add3A_18, %dma_wait3A_70] : memref<10128x128xf32, #tpu.memory_space<vmem_shared>> -> memref<120x128xf32, #tpu.memory_space<vmem_shared>>
      %dma_wait3A_72 = arith.constant 0 : i32
      %dma_wait3A_73 = tpu.memref_slice %arg12[%add3A_18, %dma_wait3A_72] : memref<10128x128xf32, #tpu.memory_space<vmem_shared>> -> memref<120x128xf32, #tpu.memory_space<vmem_shared>>
      %dma_wait3A_74 = arith.constant 0 : i32
      %dma_wait3A_75 = arith.constant 0 : i32
      %dma_wait3A_76 = tpu.memref_slice %arg10[%dma_wait3A_74, %dma_wait3A_75] : memref<128x128xf32, #tpu.memory_space<vmem>> -> memref<120x128xf32, #tpu.memory_space<vmem>>
      tpu.wait_dma2 semaphore(%run_scoped3A : memref<!tpu.dma_semaphore, #tpu.memory_space<semaphore_mem>>) src(%dma_wait3A_76 : memref<120x128xf32, #tpu.memory_space<vmem>>) dst(%dma_wait3A_73 : memref<120x128xf32, #tpu.memory_space<vmem_shared>>)
      tpu.yield
    }) : () -> ()
    %eq3A = arith.constant 0 : i32
    %eq3A_19 = arith.cmpi eq, %arg1, %eq3A : i32
    %convert_element_type3A = arith.extui %eq3A_19 : i1 to i32
    %cond3A = arith.constant 0 : i32
    %cond3A_20 = arith.cmpi ne, %convert_element_type3A, %cond3A : i32
    scf.if %cond3A_20 {
      "tpu.region"() ({
        %run_scoped3A = tpu.sem_alloc : memref<!tpu.dma_semaphore, #tpu.memory_space<semaphore_mem>>
        %dma_start3A = arith.constant 0 : i32
        %dma_start3A_59 = arith.constant 0 : i32
        %dma_start3A_60 = tpu.memref_slice %arg10[%dma_start3A, %dma_start3A_59] : memref<128x128xf32, #tpu.memory_space<vmem>> -> memref<16x128xf32, #tpu.memory_space<vmem>>
        %dma_start3A_61 = arith.constant 10112 : i32
        %dma_start3A_62 = arith.constant 0 : i32
        %dma_start3A_63 = tpu.memref_slice %arg12[%dma_start3A_61, %dma_start3A_62] : memref<10128x128xf32, #tpu.memory_space<vmem_shared>> -> memref<16x128xf32, #tpu.memory_space<vmem_shared>>
        %dma_start3A_64 = arith.constant 10112 : i32
        %dma_start3A_65 = arith.constant 0 : i32
        %dma_start3A_66 = tpu.memref_slice %arg12[%dma_start3A_64, %dma_start3A_65] : memref<10128x128xf32, #tpu.memory_space<vmem_shared>> -> memref<16x128xf32, #tpu.memory_space<vmem_shared>>
        %dma_start3A_67 = arith.constant 0 : i32
        %dma_start3A_68 = arith.constant 0 : i32
        %dma_start3A_69 = tpu.memref_slice %arg10[%dma_start3A_67, %dma_start3A_68] : memref<128x128xf32, #tpu.memory_space<vmem>> -> memref<16x128xf32, #tpu.memory_space<vmem>>
        tpu.enqueue_dma source(%dma_start3A_69 : memref<16x128xf32, #tpu.memory_space<vmem>>) target(%dma_start3A_66 : memref<16x128xf32, #tpu.memory_space<vmem_shared>>) target_semaphore(%run_scoped3A : memref<!tpu.dma_semaphore, #tpu.memory_space<semaphore_mem>>)
        %dma_wait3A = arith.constant 0 : i32
        %dma_wait3A_70 = arith.constant 0 : i32
        %dma_wait3A_71 = tpu.memref_slice %arg10[%dma_wait3A, %dma_wait3A_70] : memref<128x128xf32, #tpu.memory_space<vmem>> -> memref<16x128xf32, #tpu.memory_space<vmem>>
        %dma_wait3A_72 = arith.constant 10112 : i32
        %dma_wait3A_73 = arith.constant 0 : i32
        %dma_wait3A_74 = tpu.memref_slice %arg12[%dma_wait3A_72, %dma_wait3A_73] : memref<10128x128xf32, #tpu.memory_space<vmem_shared>> -> memref<16x128xf32, #tpu.memory_space<vmem_shared>>
        %dma_wait3A_75 = arith.constant 10112 : i32
        %dma_wait3A_76 = arith.constant 0 : i32
        %dma_wait3A_77 = tpu.memref_slice %arg12[%dma_wait3A_75, %dma_wait3A_76] : memref<10128x128xf32, #tpu.memory_space<vmem_shared>> -> memref<16x128xf32, #tpu.memory_space<vmem_shared>>
        %dma_wait3A_78 = arith.constant 0 : i32
        %dma_wait3A_79 = arith.constant 0 : i32
        %dma_wait3A_80 = tpu.memref_slice %arg10[%dma_wait3A_78, %dma_wait3A_79] : memref<128x128xf32, #tpu.memory_space<vmem>> -> memref<16x128xf32, #tpu.memory_space<vmem>>
        tpu.wait_dma2 semaphore(%run_scoped3A : memref<!tpu.dma_semaphore, #tpu.memory_space<semaphore_mem>>) src(%dma_wait3A_80 : memref<16x128xf32, #tpu.memory_space<vmem>>) dst(%dma_wait3A_77 : memref<16x128xf32, #tpu.memory_space<vmem_shared>>)
        tpu.yield
      }) : () -> ()
    } else {
    }
    %mul3A_21 = arith.constant 624 : i32
    %mul3A_22 = arith.muli %arg1, %mul3A_21 : i32
    %barrier3A = arith.constant 0 : index
    tpu.barrier barrier_id(%barrier3A)
    %mul3A_23 = arith.constant 80 : i32
    %mul3A_24 = arith.muli %add3A, %mul3A_23 : i32
    %jit3A = arith.constant 80 : i32
    %jit3A_25 = arith.constant 2 : i32
    %div3A = arith.divsi %jit3A, %jit3A_25 : i32
    %sign3A = arith.constant 0 : i32
    %sign3A_26 = arith.cmpi sgt, %jit3A, %sign3A : i32
    %sign3A_27 = arith.extui %sign3A_26 : i1 to i32
    %sign3A_28 = arith.constant 0 : i32
    %sign3A_29 = arith.cmpi slt, %jit3A, %sign3A_28 : i32
    %sign3A_30 = arith.extui %sign3A_29 : i1 to i32
    %sign3A_31 = arith.subi %sign3A_27, %sign3A_30 : i32
    %sign3A_32 = arith.constant 0 : i32
    %sign3A_33 = arith.cmpi sgt, %jit3A_25, %sign3A_32 : i32
    %sign3A_34 = arith.extui %sign3A_33 : i1 to i32
    %sign3A_35 = arith.constant 0 : i32
    %sign3A_36 = arith.cmpi slt, %jit3A_25, %sign3A_35 : i32
    %sign3A_37 = arith.extui %sign3A_36 : i1 to i32
    %sign3A_38 = arith.subi %sign3A_34, %sign3A_37 : i32
    %ne3A = arith.cmpi ne, %sign3A_31, %sign3A_38 : i32
    %rem3A = arith.remsi %jit3A, %jit3A_25 : i32
    %ne3A_39 = arith.constant 0 : i32
    %ne3A_40 = arith.cmpi ne, %rem3A, %ne3A_39 : i32
    %and3A = arith.andi %ne3A, %ne3A_40 : i1
    %sub3A = arith.constant 1 : i32
    %sub3A_41 = arith.subi %div3A, %sub3A : i32
    %select_n3A = arith.select %and3A, %sub3A_41, %div3A : i32
    %while3A = arith.constant 0 : i32
    %while3A_42 = arith.constant 0 : i32
    %while3A_43 = arith.subi %select_n3A, %while3A : i32
    %while3A_44 = arith.addi %while3A, %while3A_43 : i32
    %while3A_45 = arith.constant 1 : i32
    %while3A_46 = arith.divsi %while3A_43, %while3A_45 : i32
    %while3A_47 = arith.muli %while3A_46, %while3A_45 : i32
    %while3A_48 = arith.addi %while3A, %while3A_47 : i32
    %while3A_49 = arith.constant 1 : i32
    %while3A_50 = scf.for %while3A_59 = %while3A to %while3A_48 step %while3A_49 iter_args(%while3A_60 = %while3A_42) -> (i32)  : i32 {
      %mul3A_61 = arith.constant 2 : i32
      %mul3A_62 = arith.muli %mul3A_61, %while3A_59 : i32
      %add3A_63 = arith.addi %mul3A_24, %mul3A_62 : i32
      %mul3A_64 = arith.constant 128 : i32
      %mul3A_65 = arith.muli %add3A_63, %mul3A_64 : i32
      "tpu.region"() ({
        %run_scoped3A = tpu.sem_alloc : memref<!tpu.dma_semaphore, #tpu.memory_space<semaphore_mem>>
        %dma_start3A_85 = tpu.memref_slice %arg3[%mul3A_65] : memref<327680xi32, #tpu.memory_space<hbm>> -> memref<128xi32, #tpu.memory_space<hbm>>
        %dma_start3A_86 = tpu.memref_slice %arg3[%mul3A_65] : memref<327680xi32, #tpu.memory_space<hbm>> -> memref<128xi32, #tpu.memory_space<hbm>>
        tpu.enqueue_dma source(%dma_start3A_86 : memref<128xi32, #tpu.memory_space<hbm>>) target(%arg6 : memref<128xi32, #tpu.memory_space<vmem>>) target_semaphore(%run_scoped3A : memref<!tpu.dma_semaphore, #tpu.memory_space<semaphore_mem>>)
        %dma_wait3A_87 = tpu.memref_slice %arg3[%mul3A_65] : memref<327680xi32, #tpu.memory_space<hbm>> -> memref<128xi32, #tpu.memory_space<hbm>>
        %dma_wait3A_88 = tpu.memref_slice %arg3[%mul3A_65] : memref<327680xi32, #tpu.memory_space<hbm>> -> memref<128xi32, #tpu.memory_space<hbm>>
        tpu.wait_dma2 semaphore(%run_scoped3A : memref<!tpu.dma_semaphore, #tpu.memory_space<semaphore_mem>>) src(%dma_wait3A_88 : memref<128xi32, #tpu.memory_space<hbm>>) dst(%arg6 : memref<128xi32, #tpu.memory_space<vmem>>)
        tpu.yield
      }) : () -> ()
      "tpu.region"() ({
        %run_scoped3A = tpu.sem_alloc : memref<!tpu.dma_semaphore, #tpu.memory_space<semaphore_mem>>
        %dma_start3A_85 = tpu.memref_slice %arg4[%mul3A_65] : memref<327680xi32, #tpu.memory_space<hbm>> -> memref<128xi32, #tpu.memory_space<hbm>>
        %dma_start3A_86 = tpu.memref_slice %arg4[%mul3A_65] : memref<327680xi32, #tpu.memory_space<hbm>> -> memref<128xi32, #tpu.memory_space<hbm>>
        tpu.enqueue_dma source(%dma_start3A_86 : memref<128xi32, #tpu.memory_space<hbm>>) target(%arg7 : memref<128xi32, #tpu.memory_space<vmem>>) target_semaphore(%run_scoped3A : memref<!tpu.dma_semaphore, #tpu.memory_space<semaphore_mem>>)
        %dma_wait3A_87 = tpu.memref_slice %arg4[%mul3A_65] : memref<327680xi32, #tpu.memory_space<hbm>> -> memref<128xi32, #tpu.memory_space<hbm>>
        %dma_wait3A_88 = tpu.memref_slice %arg4[%mul3A_65] : memref<327680xi32, #tpu.memory_space<hbm>> -> memref<128xi32, #tpu.memory_space<hbm>>
        tpu.wait_dma2 semaphore(%run_scoped3A : memref<!tpu.dma_semaphore, #tpu.memory_space<semaphore_mem>>) src(%dma_wait3A_88 : memref<128xi32, #tpu.memory_space<hbm>>) dst(%arg7 : memref<128xi32, #tpu.memory_space<vmem>>)
        tpu.yield
      }) : () -> ()
      %dma_start3A = arith.constant 0 : i32
      %dma_start3A_66 = arith.constant 0 : i32
      %dma_start3A_67 = tpu.memref_slice %arg2[%dma_start3A, %dma_start3A_66] : memref<10000x128xf32, #tpu.memory_space<hbm>> -> memref<10000x128xf32, #tpu.memory_space<hbm>>
      tpu.enqueue_indirect_dma source(%dma_start3A_67 : memref<10000x128xf32, #tpu.memory_space<hbm>>) target(%arg10 : memref<128x128xf32, #tpu.memory_space<vmem>>) offsets(%arg6 : memref<128xi32, #tpu.memory_space<vmem>>) semaphore(%arg13 : memref<!tpu.dma_semaphore, #tpu.memory_space<semaphore_mem>>)
      %add3A_68 = arith.constant 128 : i32
      %add3A_69 = arith.addi %mul3A_65, %add3A_68 : i32
      "tpu.region"() ({
        %run_scoped3A = tpu.sem_alloc : memref<!tpu.dma_semaphore, #tpu.memory_space<semaphore_mem>>
        %dma_start3A_85 = tpu.memref_slice %arg3[%add3A_69] : memref<327680xi32, #tpu.memory_space<hbm>> -> memref<128xi32, #tpu.memory_space<hbm>>
        %dma_start3A_86 = tpu.memref_slice %arg3[%add3A_69] : memref<327680xi32, #tpu.memory_space<hbm>> -> memref<128xi32, #tpu.memory_space<hbm>>
        tpu.enqueue_dma source(%dma_start3A_86 : memref<128xi32, #tpu.memory_space<hbm>>) target(%arg8 : memref<128xi32, #tpu.memory_space<vmem>>) target_semaphore(%run_scoped3A : memref<!tpu.dma_semaphore, #tpu.memory_space<semaphore_mem>>)
        %dma_wait3A_87 = tpu.memref_slice %arg3[%add3A_69] : memref<327680xi32, #tpu.memory_space<hbm>> -> memref<128xi32, #tpu.memory_space<hbm>>
        %dma_wait3A_88 = tpu.memref_slice %arg3[%add3A_69] : memref<327680xi32, #tpu.memory_space<hbm>> -> memref<128xi32, #tpu.memory_space<hbm>>
        tpu.wait_dma2 semaphore(%run_scoped3A : memref<!tpu.dma_semaphore, #tpu.memory_space<semaphore_mem>>) src(%dma_wait3A_88 : memref<128xi32, #tpu.memory_space<hbm>>) dst(%arg8 : memref<128xi32, #tpu.memory_space<vmem>>)
        tpu.yield
      }) : () -> ()
      "tpu.region"() ({
        %run_scoped3A = tpu.sem_alloc : memref<!tpu.dma_semaphore, #tpu.memory_space<semaphore_mem>>
        %dma_start3A_85 = tpu.memref_slice %arg4[%add3A_69] : memref<327680xi32, #tpu.memory_space<hbm>> -> memref<128xi32, #tpu.memory_space<hbm>>
        %dma_start3A_86 = tpu.memref_slice %arg4[%add3A_69] : memref<327680xi32, #tpu.memory_space<hbm>> -> memref<128xi32, #tpu.memory_space<hbm>>
        tpu.enqueue_dma source(%dma_start3A_86 : memref<128xi32, #tpu.memory_space<hbm>>) target(%arg9 : memref<128xi32, #tpu.memory_space<vmem>>) target_semaphore(%run_scoped3A : memref<!tpu.dma_semaphore, #tpu.memory_space<semaphore_mem>>)
        %dma_wait3A_87 = tpu.memref_slice %arg4[%add3A_69] : memref<327680xi32, #tpu.memory_space<hbm>> -> memref<128xi32, #tpu.memory_space<hbm>>
        %dma_wait3A_88 = tpu.memref_slice %arg4[%add3A_69] : memref<327680xi32, #tpu.memory_space<hbm>> -> memref<128xi32, #tpu.memory_space<hbm>>
        tpu.wait_dma2 semaphore(%run_scoped3A : memref<!tpu.dma_semaphore, #tpu.memory_space<semaphore_mem>>) src(%dma_wait3A_88 : memref<128xi32, #tpu.memory_space<hbm>>) dst(%arg9 : memref<128xi32, #tpu.memory_space<vmem>>)
        tpu.yield
      }) : () -> ()
      %dma_start3A_70 = arith.constant 0 : i32
      %dma_start3A_71 = arith.constant 0 : i32
      %dma_start3A_72 = tpu.memref_slice %arg2[%dma_start3A_70, %dma_start3A_71] : memref<10000x128xf32, #tpu.memory_space<hbm>> -> memref<10000x128xf32, #tpu.memory_space<hbm>>
      tpu.enqueue_indirect_dma source(%dma_start3A_72 : memref<10000x128xf32, #tpu.memory_space<hbm>>) target(%arg11 : memref<128x128xf32, #tpu.memory_space<vmem>>) offsets(%arg8 : memref<128xi32, #tpu.memory_space<vmem>>) semaphore(%arg14 : memref<!tpu.dma_semaphore, #tpu.memory_space<semaphore_mem>>)
      %dma_wait3A = arith.constant 0 : i32
      %dma_wait3A_73 = arith.constant 0 : i32
      %dma_wait3A_74 = tpu.memref_slice %arg2[%dma_wait3A, %dma_wait3A_73] : memref<10000x128xf32, #tpu.memory_space<hbm>> -> memref<128x128xf32, #tpu.memory_space<hbm>>
      %dma_wait3A_75 = arith.constant 0 : i32
      %dma_wait3A_76 = arith.constant 0 : i32
      %dma_wait3A_77 = tpu.memref_slice %arg2[%dma_wait3A_75, %dma_wait3A_76] : memref<10000x128xf32, #tpu.memory_space<hbm>> -> memref<128x128xf32, #tpu.memory_space<hbm>>
      tpu.wait_dma2 semaphore(%arg13 : memref<!tpu.dma_semaphore, #tpu.memory_space<semaphore_mem>>) src(%dma_wait3A_77 : memref<128x128xf32, #tpu.memory_space<hbm>>) dst(%arg10 : memref<128x128xf32, #tpu.memory_space<vmem>>)
      "tpu.region"() ({
        %run_scoped3A = tpu.sem_alloc : memref<!tpu.dma_semaphore, #tpu.memory_space<semaphore_mem>>
        %dma_start3A_85 = arith.constant 0 : i32
        %dma_start3A_86 = arith.constant 0 : i32
        %dma_start3A_87 = tpu.memref_slice %arg12[%dma_start3A_85, %dma_start3A_86] : memref<10128x128xf32, #tpu.memory_space<vmem_shared>> -> memref<10128x128xf32, #tpu.memory_space<vmem_shared>>
        tpu.enqueue_indirect_dma source(%arg10 : memref<128x128xf32, #tpu.memory_space<vmem>>) target(%dma_start3A_87 : memref<10128x128xf32, #tpu.memory_space<vmem_shared>>) offsets(%arg7 : memref<128xi32, #tpu.memory_space<vmem>>) semaphore(%run_scoped3A : memref<!tpu.dma_semaphore, #tpu.memory_space<semaphore_mem>>) {add = true}
        %dma_wait3A_88 = arith.constant 0 : i32
        %dma_wait3A_89 = arith.constant 0 : i32
        %dma_wait3A_90 = tpu.memref_slice %arg12[%dma_wait3A_88, %dma_wait3A_89] : memref<10128x128xf32, #tpu.memory_space<vmem_shared>> -> memref<10128x128xf32, #tpu.memory_space<vmem_shared>>
        tpu.wait_indirect_dma semaphore(%run_scoped3A : memref<!tpu.dma_semaphore, #tpu.memory_space<semaphore_mem>>) src(%arg10 : memref<128x128xf32, #tpu.memory_space<vmem>>) dst(%dma_wait3A_90 : memref<10128x128xf32, #tpu.memory_space<vmem_shared>>)
        tpu.yield
      }) : () -> ()
      %dma_wait3A_78 = arith.constant 0 : i32
      %dma_wait3A_79 = arith.constant 0 : i32
      %dma_wait3A_80 = tpu.memref_slice %arg2[%dma_wait3A_78, %dma_wait3A_79] : memref<10000x128xf32, #tpu.memory_space<hbm>> -> memref<128x128xf32, #tpu.memory_space<hbm>>
      %dma_wait3A_81 = arith.constant 0 : i32
      %dma_wait3A_82 = arith.constant 0 : i32
      %dma_wait3A_83 = tpu.memref_slice %arg2[%dma_wait3A_81, %dma_wait3A_82] : memref<10000x128xf32, #tpu.memory_space<hbm>> -> memref<128x128xf32, #tpu.memory_space<hbm>>
      tpu.wait_dma2 semaphore(%arg14 : memref<!tpu.dma_semaphore, #tpu.memory_space<semaphore_mem>>) src(%dma_wait3A_83 : memref<128x128xf32, #tpu.memory_space<hbm>>) dst(%arg11 : memref<128x128xf32, #tpu.memory_space<vmem>>)
      "tpu.region"() ({
        %run_scoped3A = tpu.sem_alloc : memref<!tpu.dma_semaphore, #tpu.memory_space<semaphore_mem>>
        %dma_start3A_85 = arith.constant 0 : i32
        %dma_start3A_86 = arith.constant 0 : i32
        %dma_start3A_87 = tpu.memref_slice %arg12[%dma_start3A_85, %dma_start3A_86] : memref<10128x128xf32, #tpu.memory_space<vmem_shared>> -> memref<10128x128xf32, #tpu.memory_space<vmem_shared>>
        tpu.enqueue_indirect_dma source(%arg11 : memref<128x128xf32, #tpu.memory_space<vmem>>) target(%dma_start3A_87 : memref<10128x128xf32, #tpu.memory_space<vmem_shared>>) offsets(%arg9 : memref<128xi32, #tpu.memory_space<vmem>>) semaphore(%run_scoped3A : memref<!tpu.dma_semaphore, #tpu.memory_space<semaphore_mem>>) {add = true}
        %dma_wait3A_88 = arith.constant 0 : i32
        %dma_wait3A_89 = arith.constant 0 : i32
        %dma_wait3A_90 = tpu.memref_slice %arg12[%dma_wait3A_88, %dma_wait3A_89] : memref<10128x128xf32, #tpu.memory_space<vmem_shared>> -> memref<10128x128xf32, #tpu.memory_space<vmem_shared>>
        tpu.wait_indirect_dma semaphore(%run_scoped3A : memref<!tpu.dma_semaphore, #tpu.memory_space<semaphore_mem>>) src(%arg11 : memref<128x128xf32, #tpu.memory_space<vmem>>) dst(%dma_wait3A_90 : memref<10128x128xf32, #tpu.memory_space<vmem_shared>>)
        tpu.yield
      }) : () -> ()
      %while3A_84 = arith.constant 0 : i32
      scf.yield %while3A_84 : i32
    }
    %while3A_51 = arith.constant 1 : i32
    %while3A_52 = scf.for %while3A_59 = %while3A_48 to %while3A_44 step %while3A_51 iter_args(%while3A_60 = %while3A_50) -> (i32)  : i32 {
      %mul3A_61 = arith.constant 2 : i32
      %mul3A_62 = arith.muli %mul3A_61, %while3A_59 : i32
      %add3A_63 = arith.addi %mul3A_24, %mul3A_62 : i32
      %mul3A_64 = arith.constant 128 : i32
      %mul3A_65 = arith.muli %add3A_63, %mul3A_64 : i32
      "tpu.region"() ({
        %run_scoped3A = tpu.sem_alloc : memref<!tpu.dma_semaphore, #tpu.memory_space<semaphore_mem>>
        %dma_start3A_85 = tpu.memref_slice %arg3[%mul3A_65] : memref<327680xi32, #tpu.memory_space<hbm>> -> memref<128xi32, #tpu.memory_space<hbm>>
        %dma_start3A_86 = tpu.memref_slice %arg3[%mul3A_65] : memref<327680xi32, #tpu.memory_space<hbm>> -> memref<128xi32, #tpu.memory_space<hbm>>
        tpu.enqueue_dma source(%dma_start3A_86 : memref<128xi32, #tpu.memory_space<hbm>>) target(%arg6 : memref<128xi32, #tpu.memory_space<vmem>>) target_semaphore(%run_scoped3A : memref<!tpu.dma_semaphore, #tpu.memory_space<semaphore_mem>>)
        %dma_wait3A_87 = tpu.memref_slice %arg3[%mul3A_65] : memref<327680xi32, #tpu.memory_space<hbm>> -> memref<128xi32, #tpu.memory_space<hbm>>
        %dma_wait3A_88 = tpu.memref_slice %arg3[%mul3A_65] : memref<327680xi32, #tpu.memory_space<hbm>> -> memref<128xi32, #tpu.memory_space<hbm>>
        tpu.wait_dma2 semaphore(%run_scoped3A : memref<!tpu.dma_semaphore, #tpu.memory_space<semaphore_mem>>) src(%dma_wait3A_88 : memref<128xi32, #tpu.memory_space<hbm>>) dst(%arg6 : memref<128xi32, #tpu.memory_space<vmem>>)
        tpu.yield
      }) : () -> ()
      "tpu.region"() ({
        %run_scoped3A = tpu.sem_alloc : memref<!tpu.dma_semaphore, #tpu.memory_space<semaphore_mem>>
        %dma_start3A_85 = tpu.memref_slice %arg4[%mul3A_65] : memref<327680xi32, #tpu.memory_space<hbm>> -> memref<128xi32, #tpu.memory_space<hbm>>
        %dma_start3A_86 = tpu.memref_slice %arg4[%mul3A_65] : memref<327680xi32, #tpu.memory_space<hbm>> -> memref<128xi32, #tpu.memory_space<hbm>>
        tpu.enqueue_dma source(%dma_start3A_86 : memref<128xi32, #tpu.memory_space<hbm>>) target(%arg7 : memref<128xi32, #tpu.memory_space<vmem>>) target_semaphore(%run_scoped3A : memref<!tpu.dma_semaphore, #tpu.memory_space<semaphore_mem>>)
        %dma_wait3A_87 = tpu.memref_slice %arg4[%mul3A_65] : memref<327680xi32, #tpu.memory_space<hbm>> -> memref<128xi32, #tpu.memory_space<hbm>>
        %dma_wait3A_88 = tpu.memref_slice %arg4[%mul3A_65] : memref<327680xi32, #tpu.memory_space<hbm>> -> memref<128xi32, #tpu.memory_space<hbm>>
        tpu.wait_dma2 semaphore(%run_scoped3A : memref<!tpu.dma_semaphore, #tpu.memory_space<semaphore_mem>>) src(%dma_wait3A_88 : memref<128xi32, #tpu.memory_space<hbm>>) dst(%arg7 : memref<128xi32, #tpu.memory_space<vmem>>)
        tpu.yield
      }) : () -> ()
      %dma_start3A = arith.constant 0 : i32
      %dma_start3A_66 = arith.constant 0 : i32
      %dma_start3A_67 = tpu.memref_slice %arg2[%dma_start3A, %dma_start3A_66] : memref<10000x128xf32, #tpu.memory_space<hbm>> -> memref<10000x128xf32, #tpu.memory_space<hbm>>
      tpu.enqueue_indirect_dma source(%dma_start3A_67 : memref<10000x128xf32, #tpu.memory_space<hbm>>) target(%arg10 : memref<128x128xf32, #tpu.memory_space<vmem>>) offsets(%arg6 : memref<128xi32, #tpu.memory_space<vmem>>) semaphore(%arg13 : memref<!tpu.dma_semaphore, #tpu.memory_space<semaphore_mem>>)
      %add3A_68 = arith.constant 128 : i32
      %add3A_69 = arith.addi %mul3A_65, %add3A_68 : i32
      "tpu.region"() ({
        %run_scoped3A = tpu.sem_alloc : memref<!tpu.dma_semaphore, #tpu.memory_space<semaphore_mem>>
        %dma_start3A_85 = tpu.memref_slice %arg3[%add3A_69] : memref<327680xi32, #tpu.memory_space<hbm>> -> memref<128xi32, #tpu.memory_space<hbm>>
        %dma_start3A_86 = tpu.memref_slice %arg3[%add3A_69] : memref<327680xi32, #tpu.memory_space<hbm>> -> memref<128xi32, #tpu.memory_space<hbm>>
        tpu.enqueue_dma source(%dma_start3A_86 : memref<128xi32, #tpu.memory_space<hbm>>) target(%arg8 : memref<128xi32, #tpu.memory_space<vmem>>) target_semaphore(%run_scoped3A : memref<!tpu.dma_semaphore, #tpu.memory_space<semaphore_mem>>)
        %dma_wait3A_87 = tpu.memref_slice %arg3[%add3A_69] : memref<327680xi32, #tpu.memory_space<hbm>> -> memref<128xi32, #tpu.memory_space<hbm>>
        %dma_wait3A_88 = tpu.memref_slice %arg3[%add3A_69] : memref<327680xi32, #tpu.memory_space<hbm>> -> memref<128xi32, #tpu.memory_space<hbm>>
        tpu.wait_dma2 semaphore(%run_scoped3A : memref<!tpu.dma_semaphore, #tpu.memory_space<semaphore_mem>>) src(%dma_wait3A_88 : memref<128xi32, #tpu.memory_space<hbm>>) dst(%arg8 : memref<128xi32, #tpu.memory_space<vmem>>)
        tpu.yield
      }) : () -> ()
      "tpu.region"() ({
        %run_scoped3A = tpu.sem_alloc : memref<!tpu.dma_semaphore, #tpu.memory_space<semaphore_mem>>
        %dma_start3A_85 = tpu.memref_slice %arg4[%add3A_69] : memref<327680xi32, #tpu.memory_space<hbm>> -> memref<128xi32, #tpu.memory_space<hbm>>
        %dma_start3A_86 = tpu.memref_slice %arg4[%add3A_69] : memref<327680xi32, #tpu.memory_space<hbm>> -> memref<128xi32, #tpu.memory_space<hbm>>
        tpu.enqueue_dma source(%dma_start3A_86 : memref<128xi32, #tpu.memory_space<hbm>>) target(%arg9 : memref<128xi32, #tpu.memory_space<vmem>>) target_semaphore(%run_scoped3A : memref<!tpu.dma_semaphore, #tpu.memory_space<semaphore_mem>>)
        %dma_wait3A_87 = tpu.memref_slice %arg4[%add3A_69] : memref<327680xi32, #tpu.memory_space<hbm>> -> memref<128xi32, #tpu.memory_space<hbm>>
        %dma_wait3A_88 = tpu.memref_slice %arg4[%add3A_69] : memref<327680xi32, #tpu.memory_space<hbm>> -> memref<128xi32, #tpu.memory_space<hbm>>
        tpu.wait_dma2 semaphore(%run_scoped3A : memref<!tpu.dma_semaphore, #tpu.memory_space<semaphore_mem>>) src(%dma_wait3A_88 : memref<128xi32, #tpu.memory_space<hbm>>) dst(%arg9 : memref<128xi32, #tpu.memory_space<vmem>>)
        tpu.yield
      }) : () -> ()
      %dma_start3A_70 = arith.constant 0 : i32
      %dma_start3A_71 = arith.constant 0 : i32
      %dma_start3A_72 = tpu.memref_slice %arg2[%dma_start3A_70, %dma_start3A_71] : memref<10000x128xf32, #tpu.memory_space<hbm>> -> memref<10000x128xf32, #tpu.memory_space<hbm>>
      tpu.enqueue_indirect_dma source(%dma_start3A_72 : memref<10000x128xf32, #tpu.memory_space<hbm>>) target(%arg11 : memref<128x128xf32, #tpu.memory_space<vmem>>) offsets(%arg8 : memref<128xi32, #tpu.memory_space<vmem>>) semaphore(%arg14 : memref<!tpu.dma_semaphore, #tpu.memory_space<semaphore_mem>>)
      %dma_wait3A = arith.constant 0 : i32
      %dma_wait3A_73 = arith.constant 0 : i32
      %dma_wait3A_74 = tpu.memref_slice %arg2[%dma_wait3A, %dma_wait3A_73] : memref<10000x128xf32, #tpu.memory_space<hbm>> -> memref<128x128xf32, #tpu.memory_space<hbm>>
      %dma_wait3A_75 = arith.constant 0 : i32
      %dma_wait3A_76 = arith.constant 0 : i32
      %dma_wait3A_77 = tpu.memref_slice %arg2[%dma_wait3A_75, %dma_wait3A_76] : memref<10000x128xf32, #tpu.memory_space<hbm>> -> memref<128x128xf32, #tpu.memory_space<hbm>>
      tpu.wait_dma2 semaphore(%arg13 : memref<!tpu.dma_semaphore, #tpu.memory_space<semaphore_mem>>) src(%dma_wait3A_77 : memref<128x128xf32, #tpu.memory_space<hbm>>) dst(%arg10 : memref<128x128xf32, #tpu.memory_space<vmem>>)
      "tpu.region"() ({
        %run_scoped3A = tpu.sem_alloc : memref<!tpu.dma_semaphore, #tpu.memory_space<semaphore_mem>>
        %dma_start3A_85 = arith.constant 0 : i32
        %dma_start3A_86 = arith.constant 0 : i32
        %dma_start3A_87 = tpu.memref_slice %arg12[%dma_start3A_85, %dma_start3A_86] : memref<10128x128xf32, #tpu.memory_space<vmem_shared>> -> memref<10128x128xf32, #tpu.memory_space<vmem_shared>>
        tpu.enqueue_indirect_dma source(%arg10 : memref<128x128xf32, #tpu.memory_space<vmem>>) target(%dma_start3A_87 : memref<10128x128xf32, #tpu.memory_space<vmem_shared>>) offsets(%arg7 : memref<128xi32, #tpu.memory_space<vmem>>) semaphore(%run_scoped3A : memref<!tpu.dma_semaphore, #tpu.memory_space<semaphore_mem>>) {add = true}
        %dma_wait3A_88 = arith.constant 0 : i32
        %dma_wait3A_89 = arith.constant 0 : i32
        %dma_wait3A_90 = tpu.memref_slice %arg12[%dma_wait3A_88, %dma_wait3A_89] : memref<10128x128xf32, #tpu.memory_space<vmem_shared>> -> memref<10128x128xf32, #tpu.memory_space<vmem_shared>>
        tpu.wait_indirect_dma semaphore(%run_scoped3A : memref<!tpu.dma_semaphore, #tpu.memory_space<semaphore_mem>>) src(%arg10 : memref<128x128xf32, #tpu.memory_space<vmem>>) dst(%dma_wait3A_90 : memref<10128x128xf32, #tpu.memory_space<vmem_shared>>)
        tpu.yield
      }) : () -> ()
      %dma_wait3A_78 = arith.constant 0 : i32
      %dma_wait3A_79 = arith.constant 0 : i32
      %dma_wait3A_80 = tpu.memref_slice %arg2[%dma_wait3A_78, %dma_wait3A_79] : memref<10000x128xf32, #tpu.memory_space<hbm>> -> memref<128x128xf32, #tpu.memory_space<hbm>>
      %dma_wait3A_81 = arith.constant 0 : i32
      %dma_wait3A_82 = arith.constant 0 : i32
      %dma_wait3A_83 = tpu.memref_slice %arg2[%dma_wait3A_81, %dma_wait3A_82] : memref<10000x128xf32, #tpu.memory_space<hbm>> -> memref<128x128xf32, #tpu.memory_space<hbm>>
      tpu.wait_dma2 semaphore(%arg14 : memref<!tpu.dma_semaphore, #tpu.memory_space<semaphore_mem>>) src(%dma_wait3A_83 : memref<128x128xf32, #tpu.memory_space<hbm>>) dst(%arg11 : memref<128x128xf32, #tpu.memory_space<vmem>>)
      "tpu.region"() ({
        %run_scoped3A = tpu.sem_alloc : memref<!tpu.dma_semaphore, #tpu.memory_space<semaphore_mem>>
        %dma_start3A_85 = arith.constant 0 : i32
        %dma_start3A_86 = arith.constant 0 : i32
        %dma_start3A_87 = tpu.memref_slice %arg12[%dma_start3A_85, %dma_start3A_86] : memref<10128x128xf32, #tpu.memory_space<vmem_shared>> -> memref<10128x128xf32, #tpu.memory_space<vmem_shared>>
        tpu.enqueue_indirect_dma source(%arg11 : memref<128x128xf32, #tpu.memory_space<vmem>>) target(%dma_start3A_87 : memref<10128x128xf32, #tpu.memory_space<vmem_shared>>) offsets(%arg9 : memref<128xi32, #tpu.memory_space<vmem>>) semaphore(%run_scoped3A : memref<!tpu.dma_semaphore, #tpu.memory_space<semaphore_mem>>) {add = true}
        %dma_wait3A_88 = arith.constant 0 : i32
        %dma_wait3A_89 = arith.constant 0 : i32
        %dma_wait3A_90 = tpu.memref_slice %arg12[%dma_wait3A_88, %dma_wait3A_89] : memref<10128x128xf32, #tpu.memory_space<vmem_shared>> -> memref<10128x128xf32, #tpu.memory_space<vmem_shared>>
        tpu.wait_indirect_dma semaphore(%run_scoped3A : memref<!tpu.dma_semaphore, #tpu.memory_space<semaphore_mem>>) src(%arg11 : memref<128x128xf32, #tpu.memory_space<vmem>>) dst(%dma_wait3A_90 : memref<10128x128xf32, #tpu.memory_space<vmem_shared>>)
        tpu.yield
      }) : () -> ()
      %while3A_84 = arith.constant 0 : i32
      scf.yield %while3A_84 : i32
    }
    %barrier3A_53 = arith.constant 0 : index
    tpu.barrier barrier_id(%barrier3A_53)
    "tpu.region"() ({
      %run_scoped3A = tpu.sem_alloc : memref<!tpu.dma_semaphore, #tpu.memory_space<semaphore_mem>>
      %dma_start3A = arith.constant 0 : i32
      %dma_start3A_59 = tpu.memref_slice %arg5[%arg0, %mul3A_22, %dma_start3A] : memref<2x10000x128xf32, #tpu.memory_space<hbm>> -> memref<1x624x128xf32, #tpu.memory_space<hbm>>
      %dma_start3A_60 = tpu.memref_squeeze %dma_start3A_59 : memref<1x624x128xf32, #tpu.memory_space<hbm>> -> memref<624x128xf32, #tpu.memory_space<hbm>>
      %dma_start3A_61 = arith.constant 0 : i32
      %dma_start3A_62 = tpu.memref_slice %arg12[%mul3A_22, %dma_start3A_61] : memref<10128x128xf32, #tpu.memory_space<vmem_shared>> -> memref<624x128xf32, #tpu.memory_space<vmem_shared>>
      tpu.enqueue_dma source(%dma_start3A_62 : memref<624x128xf32, #tpu.memory_space<vmem_shared>>) target(%dma_start3A_60 : memref<624x128xf32, #tpu.memory_space<hbm>>) target_semaphore(%run_scoped3A : memref<!tpu.dma_semaphore, #tpu.memory_space<semaphore_mem>>)
      %dma_wait3A = arith.constant 0 : i32
      %dma_wait3A_63 = tpu.memref_slice %arg5[%arg0, %mul3A_22, %dma_wait3A] : memref<2x10000x128xf32, #tpu.memory_space<hbm>> -> memref<1x624x128xf32, #tpu.memory_space<hbm>>
      %dma_wait3A_64 = tpu.memref_squeeze %dma_wait3A_63 : memref<1x624x128xf32, #tpu.memory_space<hbm>> -> memref<624x128xf32, #tpu.memory_space<hbm>>
      %dma_wait3A_65 = arith.constant 0 : i32
      %dma_wait3A_66 = tpu.memref_slice %arg12[%mul3A_22, %dma_wait3A_65] : memref<10128x128xf32, #tpu.memory_space<vmem_shared>> -> memref<624x128xf32, #tpu.memory_space<vmem_shared>>
      tpu.wait_dma2 semaphore(%run_scoped3A : memref<!tpu.dma_semaphore, #tpu.memory_space<semaphore_mem>>) src(%dma_wait3A_66 : memref<624x128xf32, #tpu.memory_space<vmem_shared>>) dst(%dma_wait3A_64 : memref<624x128xf32, #tpu.memory_space<hbm>>)
      tpu.yield
    }) : () -> ()
    %eq3A_54 = arith.constant 0 : i32
    %eq3A_55 = arith.cmpi eq, %arg1, %eq3A_54 : i32
    %convert_element_type3A_56 = arith.extui %eq3A_55 : i1 to i32
    %cond3A_57 = arith.constant 0 : i32
    %cond3A_58 = arith.cmpi ne, %convert_element_type3A_56, %cond3A_57 : i32
    scf.if %cond3A_58 {
      "tpu.region"() ({
        %run_scoped3A = tpu.sem_alloc : memref<!tpu.dma_semaphore, #tpu.memory_space<semaphore_mem>>
        %dma_start3A = arith.constant 9984 : i32
        %dma_start3A_59 = arith.constant 0 : i32
        %dma_start3A_60 = tpu.memref_slice %arg5[%arg0, %dma_start3A, %dma_start3A_59] : memref<2x10000x128xf32, #tpu.memory_space<hbm>> -> memref<1x16x128xf32, #tpu.memory_space<hbm>>
        %dma_start3A_61 = tpu.memref_squeeze %dma_start3A_60 : memref<1x16x128xf32, #tpu.memory_space<hbm>> -> memref<16x128xf32, #tpu.memory_space<hbm>>
        %dma_start3A_62 = arith.constant 9984 : i32
        %dma_start3A_63 = arith.constant 0 : i32
        %dma_start3A_64 = tpu.memref_slice %arg12[%dma_start3A_62, %dma_start3A_63] : memref<10128x128xf32, #tpu.memory_space<vmem_shared>> -> memref<16x128xf32, #tpu.memory_space<vmem_shared>>
        tpu.enqueue_dma source(%dma_start3A_64 : memref<16x128xf32, #tpu.memory_space<vmem_shared>>) target(%dma_start3A_61 : memref<16x128xf32, #tpu.memory_space<hbm>>) target_semaphore(%run_scoped3A : memref<!tpu.dma_semaphore, #tpu.memory_space<semaphore_mem>>)
        %dma_wait3A = arith.constant 9984 : i32
        %dma_wait3A_65 = arith.constant 0 : i32
        %dma_wait3A_66 = tpu.memref_slice %arg5[%arg0, %dma_wait3A, %dma_wait3A_65] : memref<2x10000x128xf32, #tpu.memory_space<hbm>> -> memref<1x16x128xf32, #tpu.memory_space<hbm>>
        %dma_wait3A_67 = tpu.memref_squeeze %dma_wait3A_66 : memref<1x16x128xf32, #tpu.memory_space<hbm>> -> memref<16x128xf32, #tpu.memory_space<hbm>>
        %dma_wait3A_68 = arith.constant 9984 : i32
        %dma_wait3A_69 = arith.constant 0 : i32
        %dma_wait3A_70 = tpu.memref_slice %arg12[%dma_wait3A_68, %dma_wait3A_69] : memref<10128x128xf32, #tpu.memory_space<vmem_shared>> -> memref<16x128xf32, #tpu.memory_space<vmem_shared>>
        tpu.wait_dma2 semaphore(%run_scoped3A : memref<!tpu.dma_semaphore, #tpu.memory_space<semaphore_mem>>) src(%dma_wait3A_70 : memref<16x128xf32, #tpu.memory_space<vmem_shared>>) dst(%dma_wait3A_67 : memref<16x128xf32, #tpu.memory_space<hbm>>)
        tpu.yield
      }) : () -> ()
    } else {
    }
    return
  }
}

module attributes {stable_mosaic.version = 14 : i64} {
  func.func @_mlp_body(%arg0: i32, %arg1: memref<1000x128xf32, #tpu.memory_space<vmem>>, %arg2: memref<1000x128xf32, #tpu.memory_space<vmem>>, %arg3: memref<1000x128xf32, #tpu.memory_space<vmem>>, %arg4: memref<128x128xf32, #tpu.memory_space<vmem>>, %arg5: memref<1x128xf32, #tpu.memory_space<vmem>>, %arg6: memref<128x128xf32, #tpu.memory_space<vmem>>, %arg7: memref<1x128xf32, #tpu.memory_space<vmem>>, %arg8: memref<1000x128xf32, #tpu.memory_space<vmem>>) attributes {dimension_semantics = [#tpu.dimension_semantics<arbitrary>], iteration_bounds = array<i64: 10>, scalar_prefetch = 0 : i64, scratch_operands = 0 : i64, tpu.core_type = #tpu.core_type<tc>, window_params = [{transform_indices = @transform_0, window_bounds = array<i64: 1000, 128>}, {transform_indices = @transform_1, window_bounds = array<i64: 1000, 128>}, {transform_indices = @transform_2, window_bounds = array<i64: 1000, 128>}, {pipeline_mode = #tpu.pipeline_mode<synchronous>, transform_indices = @transform_3, window_bounds = array<i64: 128, 128>}, {pipeline_mode = #tpu.pipeline_mode<synchronous>, transform_indices = @transform_4, window_bounds = array<i64: 1, 128>}, {pipeline_mode = #tpu.pipeline_mode<synchronous>, transform_indices = @transform_5, window_bounds = array<i64: 128, 128>}, {pipeline_mode = #tpu.pipeline_mode<synchronous>, transform_indices = @transform_6, window_bounds = array<i64: 1, 128>}, {transform_indices = @transform_7, window_bounds = array<i64: 1000, 128>}]} {
    %get3A = arith.constant 0 : index
    %get3A_0 = arith.constant 0 : index
    %get3A_1 = vector.load %arg1[%get3A, %get3A_0] : memref<1000x128xf32, #tpu.memory_space<vmem>>, vector<1000x128xf32>
    %get3A_2 = arith.constant 0 : index
    %get3A_3 = arith.constant 0 : index
    %get3A_4 = vector.load %arg2[%get3A_2, %get3A_3] : memref<1000x128xf32, #tpu.memory_space<vmem>>, vector<1000x128xf32>
    %add3A = arith.addf %get3A_1, %get3A_4 : vector<1000x128xf32>
    %get3A_5 = arith.constant 0 : index
    %get3A_6 = arith.constant 0 : index
    %get3A_7 = vector.load %arg3[%get3A_5, %get3A_6] : memref<1000x128xf32, #tpu.memory_space<vmem>>, vector<1000x128xf32>
    %add3A_8 = arith.addf %add3A, %get3A_7 : vector<1000x128xf32>
    %get3A_9 = arith.constant 0 : index
    %get3A_10 = arith.constant 0 : index
    %get3A_11 = vector.load %arg4[%get3A_9, %get3A_10] : memref<128x128xf32, #tpu.memory_space<vmem>>, vector<128x128xf32>
    %dot_general3A = arith.constant dense<0.000000e+00> : vector<1000x128xf32>
    %dot_general3A_12 = tpu.matmul %add3A_8, %get3A_11, %dot_general3A {dimension_numbers = #tpu.dot_dimension_numbers<[1], [0], [0], [1], [0, 0, 1, 1], [], []>, transpose_lhs_hint = false} : vector<1000x128xf32>, vector<128x128xf32>, vector<1000x128xf32> -> vector<1000x128xf32>
    %get3A_13 = arith.constant 0 : index
    %get3A_14 = arith.constant 0 : index
    %get3A_15 = vector.load %arg5[%get3A_13, %get3A_14] : memref<1x128xf32, #tpu.memory_space<vmem>>, vector<1x128xf32>
    %add3A_16 = vector.broadcast %get3A_15 : vector<1x128xf32> to vector<1000x128xf32>
    %add3A_17 = arith.addf %dot_general3A_12, %add3A_16 : vector<1000x128xf32>
    %max3A = arith.constant 0.000000e+00 : f32
    %max3A_18 = vector.broadcast %max3A : f32 to vector<1000x128xf32>
    %max3A_19 = arith.maximumf %add3A_17, %max3A_18 : vector<1000x128xf32>
    %get3A_20 = arith.constant 0 : index
    %get3A_21 = arith.constant 0 : index
    %get3A_22 = vector.load %arg6[%get3A_20, %get3A_21] : memref<128x128xf32, #tpu.memory_space<vmem>>, vector<128x128xf32>
    %dot_general3A_23 = arith.constant dense<0.000000e+00> : vector<1000x128xf32>
    %dot_general3A_24 = tpu.matmul %max3A_19, %get3A_22, %dot_general3A_23 {dimension_numbers = #tpu.dot_dimension_numbers<[1], [0], [0], [1], [0, 0, 1, 1], [], []>, transpose_lhs_hint = false} : vector<1000x128xf32>, vector<128x128xf32>, vector<1000x128xf32> -> vector<1000x128xf32>
    %get3A_25 = arith.constant 0 : index
    %get3A_26 = arith.constant 0 : index
    %get3A_27 = vector.load %arg7[%get3A_25, %get3A_26] : memref<1x128xf32, #tpu.memory_space<vmem>>, vector<1x128xf32>
    %add3A_28 = vector.broadcast %get3A_27 : vector<1x128xf32> to vector<1000x128xf32>
    %add3A_29 = arith.addf %dot_general3A_24, %add3A_28 : vector<1000x128xf32>
    %max3A_30 = arith.constant 0.000000e+00 : f32
    %max3A_31 = vector.broadcast %max3A_30 : f32 to vector<1000x128xf32>
    %max3A_32 = arith.maximumf %add3A_29, %max3A_31 : vector<1000x128xf32>
    %swap3A = arith.constant 0 : index
    %swap3A_33 = arith.constant 0 : index
    %swap3A_34 = vector.load %arg8[%swap3A, %swap3A_33] : memref<1000x128xf32, #tpu.memory_space<vmem>>, vector<1000x128xf32>
    tpu.vector_store %arg8[%swap3A, %swap3A_33], %max3A_32 {strides = array<i32>} : memref<1000x128xf32, #tpu.memory_space<vmem>>, vector<1000x128xf32>,
    return
  }
  func.func @transform_0(%arg0: i32) -> (i32, i32) {
    %c0_i32 = arith.constant 0 : i32
    %c0_i32_0 = arith.constant 0 : i32
    return %arg0, %c0_i32 : i32, i32
  }
  func.func @transform_1(%arg0: i32) -> (i32, i32) {
    %c0_i32 = arith.constant 0 : i32
    %c0_i32_0 = arith.constant 0 : i32
    return %arg0, %c0_i32 : i32, i32
  }
  func.func @transform_2(%arg0: i32) -> (i32, i32) {
    %c0_i32 = arith.constant 0 : i32
    %c0_i32_0 = arith.constant 0 : i32
    return %arg0, %c0_i32 : i32, i32
  }
  func.func @transform_3(%arg0: i32) -> (i32, i32) {
    %c0_i32 = arith.constant 0 : i32
    %c0_i32_0 = arith.constant 0 : i32
    %c0_i32_1 = arith.constant 0 : i32
    return %c0_i32, %c0_i32_0 : i32, i32
  }
  func.func @transform_4(%arg0: i32) -> (i32, i32) {
    %c0_i32 = arith.constant 0 : i32
    %c0_i32_0 = arith.constant 0 : i32
    %c0_i32_1 = arith.constant 0 : i32
    return %c0_i32, %c0_i32_0 : i32, i32
  }
  func.func @transform_5(%arg0: i32) -> (i32, i32) {
    %c0_i32 = arith.constant 0 : i32
    %c0_i32_0 = arith.constant 0 : i32
    %c0_i32_1 = arith.constant 0 : i32
    return %c0_i32, %c0_i32_0 : i32, i32
  }
  func.func @transform_6(%arg0: i32) -> (i32, i32) {
    %c0_i32 = arith.constant 0 : i32
    %c0_i32_0 = arith.constant 0 : i32
    %c0_i32_1 = arith.constant 0 : i32
    return %c0_i32, %c0_i32_0 : i32, i32
  }
  func.func @transform_7(%arg0: i32) -> (i32, i32) {
    %c0_i32 = arith.constant 0 : i32
    %c0_i32_0 = arith.constant 0 : i32
    return %arg0, %c0_i32 : i32, i32
  }
}

module attributes {stable_mosaic.version = 14 : i64} {
  func.func @_mlp_pool_body(%arg0: i32, %arg1: memref<1000x128xf32, #tpu.memory_space<vmem>>, %arg2: memref<1000x128xf32, #tpu.memory_space<vmem>>, %arg3: memref<1000x128xf32, #tpu.memory_space<vmem>>, %arg4: memref<128x128xf32, #tpu.memory_space<vmem>>, %arg5: memref<1x128xf32, #tpu.memory_space<vmem>>, %arg6: memref<128x128xf32, #tpu.memory_space<vmem>>, %arg7: memref<1x128xf32, #tpu.memory_space<vmem>>, %arg8: memref<1000x1xi32, #tpu.memory_space<vmem>>, %arg9: memref<128x128xf32, #tpu.memory_space<vmem>>) attributes {dimension_semantics = [#tpu.dimension_semantics<arbitrary>], iteration_bounds = array<i64: 10>, scalar_prefetch = 0 : i64, scratch_operands = 0 : i64, tpu.core_type = #tpu.core_type<tc>, window_params = [{transform_indices = @transform_0, window_bounds = array<i64: 1000, 128>}, {transform_indices = @transform_1, window_bounds = array<i64: 1000, 128>}, {transform_indices = @transform_2, window_bounds = array<i64: 1000, 128>}, {pipeline_mode = #tpu.pipeline_mode<synchronous>, transform_indices = @transform_3, window_bounds = array<i64: 128, 128>}, {pipeline_mode = #tpu.pipeline_mode<synchronous>, transform_indices = @transform_4, window_bounds = array<i64: 1, 128>}, {pipeline_mode = #tpu.pipeline_mode<synchronous>, transform_indices = @transform_5, window_bounds = array<i64: 128, 128>}, {pipeline_mode = #tpu.pipeline_mode<synchronous>, transform_indices = @transform_6, window_bounds = array<i64: 1, 128>}, {transform_indices = @transform_7, window_bounds = array<i64: 1000, 1>}, {pipeline_mode = #tpu.pipeline_mode<synchronous>, transform_indices = @transform_8, window_bounds = array<i64: 128, 128>}]} {
    %get3A = arith.constant 0 : index
    %get3A_0 = arith.constant 0 : index
    %get3A_1 = vector.load %arg1[%get3A, %get3A_0] : memref<1000x128xf32, #tpu.memory_space<vmem>>, vector<1000x128xf32>
    %get3A_2 = arith.constant 0 : index
    %get3A_3 = arith.constant 0 : index
    %get3A_4 = vector.load %arg2[%get3A_2, %get3A_3] : memref<1000x128xf32, #tpu.memory_space<vmem>>, vector<1000x128xf32>
    %add3A = arith.addf %get3A_1, %get3A_4 : vector<1000x128xf32>
    %get3A_5 = arith.constant 0 : index
    %get3A_6 = arith.constant 0 : index
    %get3A_7 = vector.load %arg3[%get3A_5, %get3A_6] : memref<1000x128xf32, #tpu.memory_space<vmem>>, vector<1000x128xf32>
    %add3A_8 = arith.addf %add3A, %get3A_7 : vector<1000x128xf32>
    %get3A_9 = arith.constant 0 : index
    %get3A_10 = arith.constant 0 : index
    %get3A_11 = vector.load %arg4[%get3A_9, %get3A_10] : memref<128x128xf32, #tpu.memory_space<vmem>>, vector<128x128xf32>
    %dot_general3A = arith.constant dense<0.000000e+00> : vector<1000x128xf32>
    %dot_general3A_12 = tpu.matmul %add3A_8, %get3A_11, %dot_general3A {dimension_numbers = #tpu.dot_dimension_numbers<[1], [0], [0], [1], [0, 0, 1, 1], [], []>, transpose_lhs_hint = false} : vector<1000x128xf32>, vector<128x128xf32>, vector<1000x128xf32> -> vector<1000x128xf32>
    %get3A_13 = arith.constant 0 : index
    %get3A_14 = arith.constant 0 : index
    %get3A_15 = vector.load %arg5[%get3A_13, %get3A_14] : memref<1x128xf32, #tpu.memory_space<vmem>>, vector<1x128xf32>
    %add3A_16 = vector.broadcast %get3A_15 : vector<1x128xf32> to vector<1000x128xf32>
    %add3A_17 = arith.addf %dot_general3A_12, %add3A_16 : vector<1000x128xf32>
    %max3A = arith.constant 0.000000e+00 : f32
    %max3A_18 = vector.broadcast %max3A : f32 to vector<1000x128xf32>
    %max3A_19 = arith.maximumf %add3A_17, %max3A_18 : vector<1000x128xf32>
    %get3A_20 = arith.constant 0 : index
    %get3A_21 = arith.constant 0 : index
    %get3A_22 = vector.load %arg6[%get3A_20, %get3A_21] : memref<128x128xf32, #tpu.memory_space<vmem>>, vector<128x128xf32>
    %dot_general3A_23 = arith.constant dense<0.000000e+00> : vector<1000x128xf32>
    %dot_general3A_24 = tpu.matmul %max3A_19, %get3A_22, %dot_general3A_23 {dimension_numbers = #tpu.dot_dimension_numbers<[1], [0], [0], [1], [0, 0, 1, 1], [], []>, transpose_lhs_hint = false} : vector<1000x128xf32>, vector<128x128xf32>, vector<1000x128xf32> -> vector<1000x128xf32>
    %get3A_25 = arith.constant 0 : index
    %get3A_26 = arith.constant 0 : index
    %get3A_27 = vector.load %arg7[%get3A_25, %get3A_26] : memref<1x128xf32, #tpu.memory_space<vmem>>, vector<1x128xf32>
    %add3A_28 = vector.broadcast %get3A_27 : vector<1x128xf32> to vector<1000x128xf32>
    %add3A_29 = arith.addf %dot_general3A_24, %add3A_28 : vector<1000x128xf32>
    %max3A_30 = arith.constant 0.000000e+00 : f32
    %max3A_31 = vector.broadcast %max3A_30 : f32 to vector<1000x128xf32>
    %max3A_32 = arith.maximumf %add3A_29, %max3A_31 : vector<1000x128xf32>
    %get3A_33 = arith.constant 0 : index
    %get3A_34 = arith.constant 0 : index
    %get3A_35 = vector.load %arg8[%get3A_33, %get3A_34] : memref<1000x1xi32, #tpu.memory_space<vmem>>, vector<1000x1xi32>
    %iota3A = tpu.iota {dimensions = array<i32: 1>} : vector<1000x128xi32>
    %eq3A = vector.broadcast %get3A_35 : vector<1000x1xi32> to vector<1000x128xi32>
    %eq3A_36 = arith.cmpi eq, %eq3A, %iota3A : vector<1000x128xi32>
    %convert_element_type3A = arith.extui %eq3A_36 : vector<1000x128xi1> to vector<1000x128xi32>
    %convert_element_type3A_37 = arith.sitofp %convert_element_type3A : vector<1000x128xi32> to vector<1000x128xf32>
    %dot_general3A_38 = arith.constant dense<0.000000e+00> : vector<128x128xf32>
    %dot_general3A_39 = tpu.matmul %convert_element_type3A_37, %max3A_32, %dot_general3A_38 {dimension_numbers = #tpu.dot_dimension_numbers<[0], [0], [1], [1], [0, 1, 1, 1], [], []>, transpose_lhs_hint = false} : vector<1000x128xf32>, vector<1000x128xf32>, vector<128x128xf32> -> vector<128x128xf32>
    %eq3A_40 = arith.constant 0 : i32
    %eq3A_41 = arith.cmpi eq, %arg0, %eq3A_40 : i32
    %convert_element_type3A_42 = arith.extui %eq3A_41 : i1 to i32
    %cond3A = arith.constant 0 : i32
    %cond3A_43 = arith.cmpi ne, %convert_element_type3A_42, %cond3A : i32
    scf.if %cond3A_43 {
      %swap3A = arith.constant 0 : index
      %swap3A_48 = arith.constant 0 : index
      %swap3A_49 = vector.load %arg9[%swap3A, %swap3A_48] : memref<128x128xf32, #tpu.memory_space<vmem>>, vector<128x128xf32>
      tpu.vector_store %arg9[%swap3A, %swap3A_48], %dot_general3A_39 {strides = array<i32>} : memref<128x128xf32, #tpu.memory_space<vmem>>, vector<128x128xf32>,
    } else {
    }
    %gt3A = arith.constant 0 : i32
    %gt3A_44 = arith.cmpi sgt, %arg0, %gt3A : i32
    %convert_element_type3A_45 = arith.extui %gt3A_44 : i1 to i32
    %cond3A_46 = arith.constant 0 : i32
    %cond3A_47 = arith.cmpi ne, %convert_element_type3A_45, %cond3A_46 : i32
    scf.if %cond3A_47 {
      %get3A_48 = arith.constant 0 : index
      %get3A_49 = arith.constant 0 : index
      %get3A_50 = vector.load %arg9[%get3A_48, %get3A_49] : memref<128x128xf32, #tpu.memory_space<vmem>>, vector<128x128xf32>
      %add3A_51 = arith.addf %get3A_50, %dot_general3A_39 : vector<128x128xf32>
      %swap3A = arith.constant 0 : index
      %swap3A_52 = arith.constant 0 : index
      %swap3A_53 = vector.load %arg9[%swap3A, %swap3A_52] : memref<128x128xf32, #tpu.memory_space<vmem>>, vector<128x128xf32>
      tpu.vector_store %arg9[%swap3A, %swap3A_52], %add3A_51 {strides = array<i32>} : memref<128x128xf32, #tpu.memory_space<vmem>>, vector<128x128xf32>,
    } else {
    }
    return
  }
  func.func @transform_0(%arg0: i32) -> (i32, i32) {
    %c0_i32 = arith.constant 0 : i32
    %c0_i32_0 = arith.constant 0 : i32
    return %arg0, %c0_i32 : i32, i32
  }
  func.func @transform_1(%arg0: i32) -> (i32, i32) {
    %c0_i32 = arith.constant 0 : i32
    %c0_i32_0 = arith.constant 0 : i32
    return %arg0, %c0_i32 : i32, i32
  }
  func.func @transform_2(%arg0: i32) -> (i32, i32) {
    %c0_i32 = arith.constant 0 : i32
    %c0_i32_0 = arith.constant 0 : i32
    return %arg0, %c0_i32 : i32, i32
  }
  func.func @transform_3(%arg0: i32) -> (i32, i32) {
    %c0_i32 = arith.constant 0 : i32
    %c0_i32_0 = arith.constant 0 : i32
    %c0_i32_1 = arith.constant 0 : i32
    return %c0_i32, %c0_i32_0 : i32, i32
  }
  func.func @transform_4(%arg0: i32) -> (i32, i32) {
    %c0_i32 = arith.constant 0 : i32
    %c0_i32_0 = arith.constant 0 : i32
    %c0_i32_1 = arith.constant 0 : i32
    return %c0_i32, %c0_i32_0 : i32, i32
  }
  func.func @transform_5(%arg0: i32) -> (i32, i32) {
    %c0_i32 = arith.constant 0 : i32
    %c0_i32_0 = arith.constant 0 : i32
    %c0_i32_1 = arith.constant 0 : i32
    return %c0_i32, %c0_i32_0 : i32, i32
  }
  func.func @transform_6(%arg0: i32) -> (i32, i32) {
    %c0_i32 = arith.constant 0 : i32
    %c0_i32_0 = arith.constant 0 : i32
    %c0_i32_1 = arith.constant 0 : i32
    return %c0_i32, %c0_i32_0 : i32, i32
  }
  func.func @transform_7(%arg0: i32) -> (i32, i32) {
    %c0_i32 = arith.constant 0 : i32
    %c0_i32_0 = arith.constant 0 : i32
    return %arg0, %c0_i32 : i32, i32
  }
  func.func @transform_8(%arg0: i32) -> (i32, i32) {
    %c0_i32 = arith.constant 0 : i32
    %c0_i32_0 = arith.constant 0 : i32
    %c0_i32_1 = arith.constant 0 : i32
    return %c0_i32, %c0_i32_0 : i32, i32
  }
}

module attributes {stable_mosaic.version = 14 : i64} {
  func.func @_head_body(%arg0: memref<128x128xf32, #tpu.memory_space<vmem>>, %arg1: memref<128x128xf32, #tpu.memory_space<vmem>>, %arg2: memref<1x128xf32, #tpu.memory_space<vmem>>, %arg3: memref<128x32xf32, #tpu.memory_space<vmem>>, %arg4: memref<1x32xf32, #tpu.memory_space<vmem>>, %arg5: memref<128x32xf32, #tpu.memory_space<vmem>>) attributes {dimension_semantics = [], scalar_prefetch = 0 : i64, scratch_operands = 0 : i64, tpu.core_type = #tpu.core_type<tc>} {
    %get3A = arith.constant 0 : index
    %get3A_0 = arith.constant 0 : index
    %get3A_1 = vector.load %arg0[%get3A, %get3A_0] : memref<128x128xf32, #tpu.memory_space<vmem>>, vector<128x128xf32>
    %get3A_2 = arith.constant 0 : index
    %get3A_3 = arith.constant 0 : index
    %get3A_4 = vector.load %arg1[%get3A_2, %get3A_3] : memref<128x128xf32, #tpu.memory_space<vmem>>, vector<128x128xf32>
    %dot_general3A = arith.constant dense<0.000000e+00> : vector<128x128xf32>
    %dot_general3A_5 = tpu.matmul %get3A_1, %get3A_4, %dot_general3A {dimension_numbers = #tpu.dot_dimension_numbers<[1], [0], [0], [1], [0, 0, 1, 1], [], []>, transpose_lhs_hint = false} : vector<128x128xf32>, vector<128x128xf32>, vector<128x128xf32> -> vector<128x128xf32>
    %get3A_6 = arith.constant 0 : index
    %get3A_7 = arith.constant 0 : index
    %get3A_8 = vector.load %arg2[%get3A_6, %get3A_7] : memref<1x128xf32, #tpu.memory_space<vmem>>, vector<1x128xf32>
    %add3A = vector.broadcast %get3A_8 : vector<1x128xf32> to vector<128x128xf32>
    %add3A_9 = arith.addf %dot_general3A_5, %add3A : vector<128x128xf32>
    %max3A = arith.constant 0.000000e+00 : f32
    %max3A_10 = vector.broadcast %max3A : f32 to vector<128x128xf32>
    %max3A_11 = arith.maximumf %add3A_9, %max3A_10 : vector<128x128xf32>
    %get3A_12 = arith.constant 0 : index
    %get3A_13 = arith.constant 0 : index
    %get3A_14 = vector.load %arg3[%get3A_12, %get3A_13] : memref<128x32xf32, #tpu.memory_space<vmem>>, vector<128x32xf32>
    %dot_general3A_15 = arith.constant dense<0.000000e+00> : vector<128x32xf32>
    %dot_general3A_16 = tpu.matmul %max3A_11, %get3A_14, %dot_general3A_15 {dimension_numbers = #tpu.dot_dimension_numbers<[1], [0], [0], [1], [0, 0, 1, 1], [], []>, transpose_lhs_hint = false} : vector<128x128xf32>, vector<128x32xf32>, vector<128x32xf32> -> vector<128x32xf32>
    %get3A_17 = arith.constant 0 : index
    %get3A_18 = arith.constant 0 : index
    %get3A_19 = vector.load %arg4[%get3A_17, %get3A_18] : memref<1x32xf32, #tpu.memory_space<vmem>>, vector<1x32xf32>
    %add3A_20 = vector.broadcast %get3A_19 : vector<1x32xf32> to vector<128x32xf32>
    %add3A_21 = arith.addf %dot_general3A_16, %add3A_20 : vector<128x32xf32>
    %reduce_max3A = arith.constant dense<0xFF800000> : vector<128xf32>
    %reduce_max3A_22 = vector.multi_reduction <maximumf>, %add3A_21, %reduce_max3A [1] : vector<128x32xf32> to vector<128xf32>
    %broadcast_in_dim3A = vector.shape_cast %reduce_max3A_22 : vector<128xf32> to vector<128x1xf32>
    %sub3A = vector.broadcast %broadcast_in_dim3A : vector<128x1xf32> to vector<128x32xf32>
    %sub3A_23 = arith.subf %add3A_21, %sub3A : vector<128x32xf32>
    %exp3A = math.exp %sub3A_23 : vector<128x32xf32>
    %sub3A_24 = vector.broadcast %broadcast_in_dim3A : vector<128x1xf32> to vector<128x32xf32>
    %sub3A_25 = arith.subf %add3A_21, %sub3A_24 : vector<128x32xf32>
    %reduce_sum3A = arith.constant dense<0.000000e+00> : vector<128xf32>
    %reduce_sum3A_26 = vector.multi_reduction <add>, %exp3A, %reduce_sum3A [1] : vector<128x32xf32> to vector<128xf32>
    %broadcast_in_dim3A_27 = vector.shape_cast %reduce_sum3A_26 : vector<128xf32> to vector<128x1xf32>
    %log3A = math.log %broadcast_in_dim3A_27 : vector<128x1xf32>
    %sub3A_28 = vector.broadcast %log3A : vector<128x1xf32> to vector<128x32xf32>
    %sub3A_29 = arith.subf %sub3A_25, %sub3A_28 : vector<128x32xf32>
    %swap3A = arith.constant 0 : index
    %swap3A_30 = arith.constant 0 : index
    %swap3A_31 = vector.load %arg5[%swap3A, %swap3A_30] : memref<128x32xf32, #tpu.memory_space<vmem>>, vector<128x32xf32>
    tpu.vector_store %arg5[%swap3A, %swap3A_30], %sub3A_29 {strides = array<i32>} : memref<128x32xf32, #tpu.memory_space<vmem>>, vector<128x32xf32>,
    return
  }
}

</mosaic_0001>

<sc_bundles>
// kernel: kernel.10.cloned.1.call-start
scs
__scs_entry_jumppad:
0x0: {  	(pc) =	sbr.rel $0x88, $3  }
0x1: {  	(tag) =	ssettag $0x0;
	lr =	simm.s32 $0x1  }
0x2: {  	[smem:$0x3F92] =	sst lr;
	_ =	strace $0xD0000000  }
0x3: {  	_ = 	snop  }
0x4: {  	_ = 	snop  }
0x5: {  	_ = 	snop  }
0x6: {  	_ = 	snop  }
0x7: {  	_ = 	snop  }
__scs_overlays_trampoline_lowered:
0x8: {  	[smem:$0x3FA1] =	sst s0  }
0x9: {  	[smem:$0x3FA2] =	sst s1  }
0xa: {  	[smem:$0x3FA3] =	sst s2  }
0xb: {  	[smem:$0x3FA4] =	sst s3  }
0xc: {  	[smem:$0x3FA5] =	sst s4  }
0xd: {  	[smem:$0x3FA6] =	sst s5  }
0xe: {  	[smem:$0x3FA7] =	sst s6  }
0xf: {  	[smem:$0x3FA8] =	sst s7  }
0x10: {  	[smem:$0x3FA9] =	sst s8  }
0x11: {  	[smem:$0x3FAA] =	sst s9;
	s0 =	simm.s32 @!p0 $0x0  }
0x12: {  	s1 =	sld [smem:$0x3F90];
	s0 =	simm.s32 @p0 $0x1  }
0x13: {  	[smem:$0x3FAB] =	sst s0;
	s0 =	simm.s32 @!p1 $0x0  }
0x14: {  	s2 =	sld [smem:$0x3F8F];
	s0 =	simm.s32 @p1 $0x1  }
0x15: {  	[smem:$0x3FAC] =	sst s0;
	s0 =	simm.s32 @!p2 $0x0  }
0x16: {  	s3 =	sld [smem:$0x3FDB];
	s0 =	simm.s32 @p2 $0x1  }
0x17: {  	s4 =	simm.s32 $0x1BF5;
	[smem:$0x3FAE] =	sst s0  }
0x18: {  	s0 =	sld [smem:$0x3F91];
	_ =	swait.ge [sflag:s4], $0x0  }
0x19: {  	s7 =	sld [smem:$0x3F92]  }
0x1a: {  	s8 =	sadd.s32 $0xFFFFE003, lr  }
0x1b: {  	s9 =	sadd.s32 $0xFFFFFEF7, lr;
	s5 =	simm.s32 $0xFFFFFFFF;
	p2 =	slt.u32 s8, $0xFFFFF086  }
0x1c: {  	p1 =	slt.u32 s9, $0xF7A;
	s5 =	simm.s32 @!p2 $0x0  }
0x1d: {  	s5 =	simm.s32 @p1 $0x1;
	p0 =	seq.s32 s7, s2  }
0x1e: {  	s7 =	smul.u32 @!p0 $0xF7A, s2;
	p2 =	seq.s32 @!p0 s5, $0x0  }
0x1f: {  	s9 =	smul.u32 $0xF7A, s1;
	s8 =	simm.s32 @!p0 $0x1BF5;
	p2 =	por !p2, p0  }
0x20: {  	[sflag:s8] =	ssyncset.s32 @!p0 $0xFFFFF086;
	s6 =	sadd.s32 @!p0 s3, s7;
	s7 =	simm.s32 @!p0 $0x108  }
0x21: {  	s3 =	sadd.s32 s3, s9;
	s6 =	sadd.s32 @!p0 $0x88, s6;
	s7 =	simm.s32 @p2 $0x1082  }
0x22: {  	[simem:s7], [sflag:s8] =	dma.local @!p0 [hbm:s6], $0xF7A  }
0x23: {  	s9 =	sor.u32 $0xD0000000, s2;
	s6 =	simm.s32 $0x108;
	_ =	swait.ge @!p0 [sflag:s8], $0x0  }
0x24: {  	s3 =	sadd.s32 $0x88, s3;
	s6 =	simm.s32 @!p1 $0x1082;
	[sflag:s4] =	ssyncset.s32 $0xFFFFF086  }
0x25: {  	[simem:s6], [sflag:s4] =	dma.local [hbm:s3], $0xF7A  }
0x26: {  	[smem:$0x3F92] =	sst s1;
	(tag) =	ssettag s2;
	_ =	strace s9  }
0x27: {  	s1 =	sld [smem:$0x3FA2]  }
0x28: {  	s2 =	sld [smem:$0x3FA3]  }
0x29: {  	s4 =	sld [smem:$0x3FA5]  }
0x2a: {  	p0 =	seq.s32 s5, $0x0;
	s5 =	sld [smem:$0x3FA6]  }
0x2b: {  	s6 =	sld [smem:$0x3FA7]  }
0x2c: {  	s7 =	sld [smem:$0x3FA8]  }
0x2d: {  	s3 =	simm.s32 $0x108;
	s8 =	sld [smem:$0x3FA9]  }
0x2e: {  	s3 =	simm.s32 @!p0 $0x1082;
	s9 =	sld [smem:$0x3FAA]  }
0x2f: {  	lr =	sadd.s32 s0, s3;
	s0 =	sld [smem:$0x3FA1]  }
0x30: {  	s3 =	sld [smem:$0x3FA4]  }
0x31: {  	[smem:$0x3FAD] =	sst s10  }
0x32: {  	s10 =	sld [smem:$0x3FAB];
	_ =	sdelay $0x3  }
0x33: {  	p0 =	seq.s32 s10, $0x1;
	s10 =	sld [smem:$0x3FAD];
	_ =	sdelay $0x3  }
0x34: {  	[smem:$0x3FAD] =	sst s10  }
0x35: {  	s10 =	sld [smem:$0x3FAC];
	_ =	sdelay $0x3  }
0x36: {  	p1 =	seq.s32 s10, $0x1;
	s10 =	sld [smem:$0x3FAD];
	_ =	sdelay $0x3  }
0x37: {  	[smem:$0x3FAD] =	sst s10  }
0x38: {  	s10 =	sld [smem:$0x3FAE]  }
0x39: {  	_ = 	snop;
	(pc) =	sbr.ind lr, $3  }
0x3a: {  	_ = 	snop  }
0x3b: {  	_ = 	snop  }
0x3c: {  	p2 =	seq.s32 s10, $0x1;
	s10 =	sld [smem:$0x3FAD]  }
0x3d: {  	_ =	shalt  }
0x3e: {  	_ =	shalt  }
0x3f: {  	_ =	shalt  }
0x40: {  	_ =	shalt  }
0x41: {  	_ =	shalt  }
0x42: {  	_ =	shalt  }
0x43: {  	_ =	shalt  }
0x44: {  	_ =	shalt  }
0x45: {  	_ =	shalt  }
0x46: {  	_ =	shalt  }
0x47: {  	_ =	shalt  }
0x48: {  	_ =	shalt  }
0x49: {  	_ =	shalt  }
0x4a: {  	_ =	shalt  }
0x4b: {  	_ =	shalt  }
0x4c: {  	_ =	shalt  }
0x4d: {  	_ =	shalt  }
0x4e: {  	_ =	shalt  }
0x4f: {  	_ =	shalt  }
0x50: {  	_ =	shalt  }
0x51: {  	_ =	shalt  }
0x52: {  	_ =	shalt  }
0x53: {  	_ =	shalt  }
0x54: {  	_ =	shalt  }
0x55: {  	_ =	shalt  }
0x56: {  	_ =	shalt  }
0x57: {  	_ =	shalt  }
0x58: {  	_ =	shalt  }
0x59: {  	_ =	shalt  }
0x5a: {  	_ =	shalt  }
0x5b: {  	_ =	shalt  }
0x5c: {  	_ =	shalt  }
0x5d: {  	_ =	shalt  }
0x5e: {  	_ =	shalt  }
0x5f: {  	_ =	shalt  }
0x60: {  	_ =	shalt  }
0x61: {  	_ =	shalt  }
0x62: {  	_ =	shalt  }
0x63: {  	_ =	shalt  }
0x64: {  	_ =	shalt  }
0x65: {  	_ =	shalt  }
0x66: {  	_ =	shalt  }
0x67: {  	_ =	shalt  }
0x68: {  	_ =	shalt  }
0x69: {  	_ =	shalt  }
0x6a: {  	_ =	shalt  }
0x6b: {  	_ =	shalt  }
0x6c: {  	_ =	shalt  }
0x6d: {  	_ =	shalt  }
0x6e: {  	_ =	shalt  }
0x6f: {  	_ =	shalt  }
0x70: {  	_ =	shalt  }
0x71: {  	_ =	shalt  }
0x72: {  	_ =	shalt  }
0x73: {  	_ =	shalt  }
0x74: {  	_ =	shalt  }
0x75: {  	_ =	shalt  }
0x76: {  	_ =	shalt  }
0x77: {  	_ =	shalt  }
0x78: {  	_ =	shalt  }
0x79: {  	_ =	shalt  }
0x7a: {  	_ =	shalt  }
0x7b: {  	_ =	shalt  }
0x7c: {  	_ =	shalt  }
0x7d: {  	_ =	shalt  }
0x7e: {  	_ =	shalt  }
0x7f: {  	_ =	shalt  }
0x80: {  	_ =	shalt  }
0x81: {  	_ =	shalt  }
0x82: {  	_ =	shalt  }
0x83: {  	_ =	shalt  }
0x84: {  	_ =	shalt  }
0x85: {  	_ =	shalt  }
0x86: {  	_ =	shalt  }
0x87: {  	_ =	shalt  }
.Lfunc_end0:
.L_simem_size_0:
called_computation.1_lowered:
.L_overlay_start_0:
0x88: {  	s2 =	sld [smem:$0x3FD9]  }
0x89: {  	s3 =	sld [smem:$0x3FFE];
	_ =	sdelay $0x1  }
0x8a: {  	s1 =	srdreg.scid  }
0x8b: {  	s0 =	sand.u32 $0x1, s1  }
0x8c: {  	s16 =	sshll.u32 s0, $0xA;
	s2 =	sadd.s32 s3, s2  }
0x8d: {  	s2 =	sadd.s32 s2, s16  }
0x8e: {  	[smem:$0x3FB9] =	sst s2  }
0x8f: {  	_ = 	snop  }
0x90: {  	(tm) =	ssettm $0x1  }
0x91: {  	s17 =	sld [smem:$0x3FFB];
	_ =	sdelay $0x3  }
0x92: {  	_ =	strace s17  }
0x93: {  	s2 =	sld [smem:$0x3FFC];
	_ =	sdelay $0x3  }
0x94: {  	_ =	strace s2  }
0x95: {  	s2 =	sld [smem:$0x3FFD];
	_ =	sdelay $0x3  }
0x96: {  	_ =	strace s2  }
0x97: {  	_ =	strace $0x8FFFFFFF  }
0x98: {  	s18 =	sld [smem:$0x3FDB];
	_ =	sdelay $0x1  }
0x99: {  	s19 =	simm.s32 $_scs_section_size  }
0x9a: {  	s4 =	simm.s32 $_size__tile_overlayer_lowered;
	s5 =	simm.s32 $_tile_overlayer_lowered  }
0x9b: {  	s22 =	simm.s32 $0x1BFF;
	s21 =	sshll.u32 s5, $0x1;
	s2 =	sadd.s32 s19, s18  }
0x9c: {  	s6 =	simm.s32 $0x0;
	s20 =	sshll.u32 s4, $0x1;
	s4 =	sadd.s32 s21, s2  }
0x9d: {  	[timem:s6], [sflag:s22] =	dma.local [hbm:s4], s20  }
0x9e: {  	_ =	swait.ge [sflag:s22], s20  }
0x9f: {  	s3 =	ssub.s32 $0x0, s20;
	[sflag:s22] =	ssyncset.done $0x0  }
0xa0: {  	[sflag:s22] =	ssyncadd.s32 s3;
	_ =	sdelay $0x1  }
0xa1: {  	s23 =	simm.s32 $0x1B8B  }
0xa2: {  	_ =	swait.ge [sflag:s23], $0x1  }
0xa3: {  	[sflag:s23] =	ssyncset.done $0x0  }
0xa4: {  	s25 =	simm.s32 $0x1B8E;
	s24 =	sld [smem:$0x3FFE];
	[sflag:s23] =	ssyncadd.s32 $0xFFFFFFFF  }
0xa5: {  	s26 =	simm.s32 $execute0_lowered;
	[smem:$0x3FD2] =	sst s25  }
0xa6: {  	s4 =	sshll.u32 s26, $0x1;
	_ =	strace $0x80000049;
	[dreg:$0x1] =	wrdreg $0xFFFFFFFF  }
0xa7: {  	s28 =	simm.s32 $_size_execute0_lowered;
	s2 =	sadd.s32 s2, s4;
	[dreg:$0x0] =	wrdreg $0x0  }
0xa8: {  	s4 =	sshll.u32 s28, $0x1;
	[dreg:$0x2] =	wrdreg s2  }
0xa9: {  	[dreg:$0x3] =	wrdreg s4  }
0xaa: {  	[dreg:$0x4] =	wrdreg $0xC0  }
0xab: {  	_ =	task [dreg:s6], $0x5FFFF  }
0xac: {  	[dreg:$0x1] =	wrdreg $0xFFFFFFFF  }
0xad: {  	[dreg:$0x0] =	wrdreg $0x60  }
0xae: {  	[dreg:$0x2] =	wrdreg s24  }
0xaf: {  	[dreg:$0x3] =	wrdreg $0x82000  }
0xb0: {  	[dreg:$0x4] =	wrdreg $0x9  }
0xb1: {  	_ =	task.clear_ibuf [dreg:s6], $0x5FFFF;
	_ =	strace $0x90000049  }
0xb2: {  	s29 =	simm.s32 $0x9;
	_ =	strace $0x8000004B  }
0xb3: {  	_ =	swait.ge [sflag:s29], $0x1  }
0xb4: {  	[sflag:s29] =	ssyncadd.s32 $0xFFFFFFFF  }
0xb5: {  	_ =	strace $0x9000004B  }
0xb6: {  	_ =	sfence  }
0xb7: {  	s30 =	sld [smem:$0x0];
	_ =	sdelay $0x2  }
0xb8: {  	s31 =	sshll.u32 s1, $0xD;
	s1 =	sshrl.u32 s1, $0x2  }
0xb9: {  	s3 =	sand.u32 $0x4000, s31;
	s1 =	sadd.s32 s1, s30  }
0xba: {  	s0 =	sor.u32 s3, s0;
	s1 =	sshll.u32 s1, $0x11  }
0xbb: {  	s0 =	sor.u32 s1, s0  }
0xbc: {  	s0 =	sadd.s32 $0x8F2B, s0  }
0xbd: {  	[sflag:s0] =	ssyncadd.remote.s32 $0x1  }
0xbe: {  	_ =	sfence.sel $0xFFFF  }
0xbf: {  	[dreg:$0x0] =	wrdreg $0xFFFFFFFF;
	(pc) =	sbr.abs _section_cstart, $3  }
0xc0: {  	[dreg:$0x1] =	wrdreg $0xFFFFFFFF  }
0xc1: {  	_ =	task.clear_ibuf [dreg:s6], $0x2FFFF;
	_ =	strace $0x9FFFFFFF  }
0xc2: {  	(tm) =	ssettm $0x7FFFFFFF  }
0xc3: {  	_ =	shalt  }
tec
execute0_lowered:
.L_overlay_start_1:
0x0: {  	(tag) =	ssettag $0x1  }
0x1: {  	s5 =	rddreg [dreg:$0x0];
	s0 =	srdreg.scid  }
0x2: {  	s1 =	stileid.u32;
	s2 =	rddreg [dreg:$0x1];
	s3 =	simm.s32 $0x0  }
0x3: {  	s18 =	simm.s32 $0x80;
	s19 =	simm.s32 $0x100;
	s20 =	simm.s32 $0x180  }
0x4: {  	s21 =	simm.s32 $0x4200;
	s22 =	simm.s32 $0x1;
	s4 =	smul.u32 $0x5000, s1  }
0x5: {  	s23 =	simm.s32 $0x2;
	s26 =	simm.s32 $0x0;
	s8 =	smul.u32 $0x4F000, s1  }
0x6: {  	s6 =	sand.u32 $0x1, s0;
	[smem:$0x7FF] =	sst s3;
	s10 =	smul.u32 $0x13800, s1  }
0x7: {  	s12 =	sadd.s32 $0x3E400, s5;
	s16 =	smul.u32 $0x4E000, s1;
	s25 =	sadd.s32 $0x138000, s2  }
0x8: {  	p0 =	sne.s32 s1, $0x0;
	s7 =	smul.u32 $0x2800, s6;
	_ =	strace $0x8000004A  }
0x9: {  	s29 =	ssub.s32 $0x2, s6;
	s11 =	smul.u32 $0x138800, s6;
	s25 =	sshrl.u32 @!p0 s25, $0x3  }
0xa: {  	s30 =	sshrl.u32 s29, $0x1;
	s8 =	sshrl.u32 s8, $0x2;
	s31 =	sshrl.u32 s16, $0x2  }
0xb: {  	s16 =	simm.s32 $0x200;
	s7 =	sadd.s32 s7, s4;
	s4 =	sadd.s32 $0x17200, s5  }
0xc: {  	s13 =	ssub.s32 s29, s30;
	s14 =	sadd.s32 s10, s11;
	s10 =	sadd.s32 $0x13C000, s2  }
0xd: {  	s17 =	sshrl.u32 s11, $0x3;
	s24 =	sadd.s32 s31, s2;
	s7 =	sshrl.u32 s7, $0x3  }
0xe: {  	s14 =	sshrl.u32 s14, $0x3;
	s13 =	smax.u32 s13, $0x1;
	s24 =	sshrl.u32 s24, $0x3  }
0xf: {  	s15 =	sadd.s32 s7, s5;
	s5 =	sadd.s32 s8, s2;
	s11 =	sadd.s32 s12, s14  }
0x10: {  	s12 =	sadd.s32 s12, s17;
	s17 =	simm.s32 $0x3;
	s6 =	sadd.s32 $0x4000, s5  }
0x11: {  	s7 =	sadd.s32 $0x8000, s5;
	s8 =	sadd.s32 $0xC000, s5;
	s9 =	sadd.s32 $0x10000, s5  }
0x12: {  	v0 =	vimm.f32 $0.0e+00;
	s12 =	sadd.s32 $0x27000, s12;
	s14 =	sadd.s32 $0x3200, s15;
	s15 =	sadd.s32 $0xD200, s15  }
.LBB2_1:
0x13: {  	s28 =	simm.s32 $0x0;
	s29 =	simm.s32 $0x200  }
.LBB2_2:
0x14: {  	p1 =	sne.s32 s29, $0xFE00;
	[tilespmem:s28+$0x270] =	vst v0  }
0x15: {  	[tilespmem:s28+$0x200] =	vst v0  }
0x16: {  	[tilespmem:s28+$0x210] =	vst v0  }
.Ltmp0:
0x17: {  	[tilespmem:s28+$0x220] =	vst v0;
	(pc) =	sbr.rel @p1 .LBB2_2-.Ltmp0, $4  }
0x18: {  	[tilespmem:s28+$0x230] =	vst v0  }
0x19: {  	[tilespmem:s28+$0x240] =	vst v0  }
0x1a: {  	[tilespmem:s28+$0x250] =	vst v0  }
0x1b: {  	[tilespmem:s28+$0x260] =	vst v0;
	s28 =	sshra.s32 s29, $0x2;
	s29 =	sadd.s32 $0x200, s29  }
0x1c: {  	[tilespmem:s28+$0x270] =	vst v0  }
0x1d: {  	[tilespmem:s28+$0x200] =	vst v0  }
0x1e: {  	[tilespmem:s28+$0x210] =	vst v0  }
0x1f: {  	[tilespmem:s28+$0x220] =	vst v0  }
0x20: {  	[tilespmem:s28+$0x230] =	vst v0  }
0x21: {  	[tilespmem:s28+$0x240] =	vst v0  }
0x22: {  	[tilespmem:s28+$0x250] =	vst v0  }
0x23: {  	[tilespmem:s28+$0x260] =	vst v0  }
0x24: {  	[spmem:s5] =	stream.linear.scatter [tilespmem:s16], [sflag:$0x3], $0x4000, $0x38;
	[tilespmem:$0x1BE80] =	vst v63  }
0x25: {  	_ =	swait.ge [sflag:s17], $0x4000  }
0x26: {  	[sflag:s17] =	ssyncset.done $0x0  }
0x27: {  	[sflag:s17] =	ssyncadd.s32 $0xFFFFC000  }
0x28: {  	[spmem:s6] =	stream.linear.scatter [tilespmem:s16], [sflag:$0x3], $0x4000, $0x38;
	[tilespmem:$0x1BE80] =	vst v63  }
0x29: {  	_ =	swait.ge [sflag:s17], $0x4000  }
0x2a: {  	[sflag:s17] =	ssyncset.done $0x0  }
0x2b: {  	[sflag:s17] =	ssyncadd.s32 $0xFFFFC000  }
0x2c: {  	[spmem:s7] =	stream.linear.scatter [tilespmem:s16], [sflag:$0x3], $0x4000, $0x38;
	[tilespmem:$0x1BE80] =	vst v63  }
0x2d: {  	_ =	swait.ge [sflag:s17], $0x4000  }
0x2e: {  	[sflag:s17] =	ssyncset.done $0x0  }
0x2f: {  	[sflag:s17] =	ssyncadd.s32 $0xFFFFC000  }
0x30: {  	[spmem:s8] =	stream.linear.scatter [tilespmem:s16], [sflag:$0x3], $0x4000, $0x38;
	[tilespmem:$0x1BE80] =	vst v63  }
0x31: {  	_ =	swait.ge [sflag:s17], $0x4000  }
0x32: {  	[sflag:s17] =	ssyncset.done $0x0  }
0x33: {  	[sflag:s17] =	ssyncadd.s32 $0xFFFFC000  }
0x34: {  	[spmem:s9] =	stream.linear.scatter [tilespmem:s16], [sflag:$0x3], $0x3C00, $0x38;
	[tilespmem:$0x1BE80] =	vst v63  }
0x35: {  	_ =	swait.ge [sflag:s17], $0x3C00  }
0x36: {  	[sflag:s17] =	ssyncset.done $0x0  }
0x37: {  	s28 =	simm.s32 @!p0 $0x200;
	[sflag:s17] =	ssyncadd.s32 $0xFFFFC400  }
0x38: {  	[spmem:s10] =	stream.linear.scatter @!p0 [tilespmem:s28], [sflag:$0x3], $0x800, $0x38;
	[tilespmem:$0x1BE80] =	vst v63  }
0x39: {  	s28 =	simm.s32 @!p0 $0x3  }
0x3a: {  	_ =	swait.ge @!p0 [sflag:s28], $0x800  }
0x3b: {  	[sflag:s28] =	ssyncset.done @!p0 $0x0  }
0x3c: {  	[sflag:s28] =	ssyncadd.s32 @!p0 $0xFFFFF800  }
0x3d: {  	s28 =	sadd.s32 $0x0, s14;
	[bflag:$0x0] =	sbarrier.arrive $0xFFFF  }
0x3e: {  	[tilespmem:s3], [sflag:$0x3] =	stream.linear.gather [hbm4b:s28+s3], $0x80, $0x38;
	[tilespmem:$0x1BE80] =	vst v63  }
0x3f: {  	_ =	swait.ge [sflag:s17], $0x80  }
0x40: {  	[sflag:s17] =	ssyncset.done $0x0  }
0x41: {  	s29 =	sadd.s32 $0x0, s15;
	[sflag:s17] =	ssyncadd.s32 $0xFFFFFF80  }
0x42: {  	[tilespmem:s18], [sflag:$0x3] =	stream.linear.gather [hbm4b:s29+s3], $0x80, $0x38;
	[tilespmem:$0x1BE80] =	vst v63  }
0x43: {  	_ =	swait.ge [sflag:s17], $0x80  }
0x44: {  	[sflag:s17] =	ssyncset.done $0x0  }
0x45: {  	[sflag:s17] =	ssyncadd.s32 $0xFFFFFF80  }
0x46: {  	[tilespmem:s16], [sflag:$0x1] =	stream.indirect.gather [hbm4b:s4+s18], $0x80, s3, s18, $0xb8;
	[tilespmem:$0x1BE80] =	vst v63  }
0x47: {  	s28 =	sadd.s32 $0x10, s28  }
0x48: {  	[tilespmem:s19], [sflag:$0x3] =	stream.linear.gather [hbm4b:s28+s3], $0x80, $0x38;
	[tilespmem:$0x1BE80] =	vst v63  }
0x49: {  	_ =	swait.ge [sflag:s17], $0x80  }
0x4a: {  	[sflag:s17] =	ssyncset.done $0x0  }
0x4b: {  	s28 =	sadd.s32 $0x10, s29;
	[sflag:s17] =	ssyncadd.s32 $0xFFFFFF80  }
0x4c: {  	[tilespmem:s20], [sflag:$0x3] =	stream.linear.gather [hbm4b:s28+s3], $0x80, $0x38;
	[tilespmem:$0x1BE80] =	vst v63  }
0x4d: {  	_ =	swait.ge [sflag:s17], $0x80  }
0x4e: {  	[sflag:s17] =	ssyncset.done $0x0  }
0x4f: {  	[sflag:s17] =	ssyncadd.s32 $0xFFFFFF80  }
0x50: {  	[tilespmem:s21], [sflag:$0x2] =	stream.indirect.gather [hbm4b:s4+s18], $0x80, s19, s18, $0xb8;
	[tilespmem:$0x1BE80] =	vst v63  }
0x51: {  	_ =	swait.ge [sflag:s22], $0x4000  }
0x52: {  	[sflag:s22] =	ssyncset.done $0x0  }
0x53: {  	[sflag:s22] =	ssyncadd.s32 $0xFFFFC000  }
0x54: {  	[spmem:s2] =	stream.indirect.scatter.add.f32 [tilespmem:s16], [sflag:$0x3], $0x80, s18, s18, $0xb8;
	[tilespmem:$0x1BE80] =	vst v63  }
0x55: {  	_ =	swait.ge [sflag:s17], $0x4000  }
0x56: {  	[sflag:s17] =	ssyncset.done $0x0  }
0x57: {  	[sflag:s17] =	ssyncadd.s32 $0xFFFFC000  }
0x58: {  	_ =	swait.ge [sflag:s23], $0x4000  }
0x59: {  	[sflag:s23] =	ssyncset.done $0x0  }
0x5a: {  	[sflag:s23] =	ssyncadd.s32 $0xFFFFC000  }
0x5b: {  	[spmem:s2] =	stream.indirect.scatter.add.f32 [tilespmem:s21], [sflag:$0x3], $0x80, s20, s18, $0xb8;
	[tilespmem:$0x1BE80] =	vst v63  }
0x5c: {  	_ =	swait.ge [sflag:s17], $0x4000  }
0x5d: {  	s30 =	simm.s32 $0x40;
	s28 =	simm.s32 $0x20;
	[sflag:s17] =	ssyncset.done $0x0  }
.LBB2_4:
0x5e: {  	s31 =	sadd.s32 s28, s14  }
0x5f: {  	[sflag:s17] =	ssyncadd.s32 $0xFFFFC000;
	s0 =	smov.u32 s30;
	s29 =	sadd.s32 $0x20, s30  }
0x60: {  	[tilespmem:s3], [sflag:$0x3] =	stream.linear.gather [hbm4b:s31+s3], $0x80, $0x38;
	[tilespmem:$0x1BE80] =	vst v63  }
0x61: {  	p1 =	sne.s32 s30, $0x4E0;
	_ =	swait.ge [sflag:s17], $0x80  }
0x62: {  	[sflag:s17] =	ssyncset.done $0x0  }
0x63: {  	s30 =	sadd.s32 s28, s15;
	s28 =	smov.u32 s0;
	[sflag:s17] =	ssyncadd.s32 $0xFFFFFF80  }
0x64: {  	[tilespmem:s18], [sflag:$0x3] =	stream.linear.gather [hbm4b:s30+s3], $0x80, $0x38;
	[tilespmem:$0x1BE80] =	vst v63  }
0x65: {  	_ =	swait.ge [sflag:s17], $0x80  }
0x66: {  	[sflag:s17] =	ssyncset.done $0x0  }
0x67: {  	[sflag:s17] =	ssyncadd.s32 $0xFFFFFF80  }
0x68: {  	[tilespmem:s16], [sflag:$0x1] =	stream.indirect.gather [hbm4b:s4+s18], $0x80, s3, s18, $0xb8;
	[tilespmem:$0x1BE80] =	vst v63  }
0x69: {  	s0 =	sadd.s32 $0x10, s31  }
0x6a: {  	[tilespmem:s19], [sflag:$0x3] =	stream.linear.gather [hbm4b:s0+s3], $0x80, $0x38;
	[tilespmem:$0x1BE80] =	vst v63  }
0x6b: {  	_ =	swait.ge [sflag:s17], $0x80  }
0x6c: {  	[sflag:s17] =	ssyncset.done $0x0  }
0x6d: {  	s0 =	sadd.s32 $0x10, s30;
	[sflag:s17] =	ssyncadd.s32 $0xFFFFFF80  }
0x6e: {  	[tilespmem:s20], [sflag:$0x3] =	stream.linear.gather [hbm4b:s0+s3], $0x80, $0x38;
	[tilespmem:$0x1BE80] =	vst v63  }
0x6f: {  	_ =	swait.ge [sflag:s17], $0x80  }
0x70: {  	[sflag:s17] =	ssyncset.done $0x0  }
0x71: {  	[sflag:s17] =	ssyncadd.s32 $0xFFFFFF80  }
0x72: {  	[tilespmem:s21], [sflag:$0x2] =	stream.indirect.gather [hbm4b:s4+s18], $0x80, s19, s18, $0xb8;
	[tilespmem:$0x1BE80] =	vst v63  }
0x73: {  	_ =	swait.ge [sflag:s22], $0x4000  }
0x74: {  	[sflag:s22] =	ssyncset.done $0x0  }
0x75: {  	[sflag:s22] =	ssyncadd.s32 $0xFFFFC000  }
0x76: {  	[spmem:s2] =	stream.indirect.scatter.add.f32 [tilespmem:s16], [sflag:$0x3], $0x80, s18, s18, $0xb8;
	[tilespmem:$0x1BE80] =	vst v63  }
0x77: {  	_ =	swait.ge [sflag:s17], $0x4000  }
0x78: {  	[sflag:s17] =	ssyncset.done $0x0  }
0x79: {  	[sflag:s17] =	ssyncadd.s32 $0xFFFFC000  }
0x7a: {  	_ =	swait.ge [sflag:s23], $0x4000  }
.Ltmp1:
0x7b: {  	[sflag:s23] =	ssyncset.done $0x0;
	(pc) =	sbr.rel @p1 .LBB2_4-.Ltmp1, $4  }
0x7c: {  	[sflag:s23] =	ssyncadd.s32 $0xFFFFC000  }
0x7d: {  	[spmem:s2] =	stream.indirect.scatter.add.f32 [tilespmem:s21], [sflag:$0x3], $0x80, s20, s18, $0xb8;
	[tilespmem:$0x1BE80] =	vst v63  }
0x7e: {  	_ =	swait.ge [sflag:s17], $0x4000  }
0x7f: {  	s30 =	smov.u32 s29;
	[sflag:s17] =	ssyncset.done $0x0  }
0x80: {  	s0 =	sadd.s32 s28, s14;
	[sflag:s17] =	ssyncadd.s32 $0xFFFFC000  }
0x81: {  	[tilespmem:s3], [sflag:$0x3] =	stream.linear.gather [hbm4b:s0+s3], $0x80, $0x38;
	[tilespmem:$0x1BE80] =	vst v63  }
0x82: {  	_ =	swait.ge [sflag:s17], $0x80  }
0x83: {  	[sflag:s17] =	ssyncset.done $0x0  }
0x84: {  	s29 =	sadd.s32 s28, s15;
	[sflag:s17] =	ssyncadd.s32 $0xFFFFFF80  }
0x85: {  	[tilespmem:s18], [sflag:$0x3] =	stream.linear.gather [hbm4b:s29+s3], $0x80, $0x38;
	[tilespmem:$0x1BE80] =	vst v63  }
0x86: {  	_ =	swait.ge [sflag:s17], $0x80  }
0x87: {  	[sflag:s17] =	ssyncset.done $0x0  }
0x88: {  	[sflag:s17] =	ssyncadd.s32 $0xFFFFFF80  }
0x89: {  	[tilespmem:s16], [sflag:$0x1] =	stream.indirect.gather [hbm4b:s4+s18], $0x80, s3, s18, $0xb8;
	[tilespmem:$0x1BE80] =	vst v63  }
0x8a: {  	s0 =	sadd.s32 $0x10, s0  }
0x8b: {  	[tilespmem:s19], [sflag:$0x3] =	stream.linear.gather [hbm4b:s0+s3], $0x80, $0x38;
	[tilespmem:$0x1BE80] =	vst v63  }
0x8c: {  	_ =	swait.ge [sflag:s17], $0x80  }
0x8d: {  	[sflag:s17] =	ssyncset.done $0x0  }
0x8e: {  	s30 =	sadd.s32 $0x10, s29;
	[sflag:s17] =	ssyncadd.s32 $0xFFFFFF80  }
0x8f: {  	[tilespmem:s20], [sflag:$0x3] =	stream.linear.gather [hbm4b:s30+s3], $0x80, $0x38;
	[tilespmem:$0x1BE80] =	vst v63  }
0x90: {  	_ =	swait.ge [sflag:s17], $0x80  }
0x91: {  	[sflag:s17] =	ssyncset.done $0x0  }
0x92: {  	[sflag:s17] =	ssyncadd.s32 $0xFFFFFF80  }
0x93: {  	[tilespmem:s21], [sflag:$0x2] =	stream.indirect.gather [hbm4b:s4+s18], $0x80, s19, s18, $0xb8;
	[tilespmem:$0x1BE80] =	vst v63  }
0x94: {  	_ =	swait.ge [sflag:s22], $0x4000  }
0x95: {  	[sflag:s22] =	ssyncset.done $0x0  }
0x96: {  	[sflag:s22] =	ssyncadd.s32 $0xFFFFC000  }
0x97: {  	[spmem:s2] =	stream.indirect.scatter.add.f32 [tilespmem:s16], [sflag:$0x3], $0x80, s18, s18, $0xb8;
	[tilespmem:$0x1BE80] =	vst v63  }
0x98: {  	_ =	swait.ge [sflag:s17], $0x4000  }
0x99: {  	[sflag:s17] =	ssyncset.done $0x0  }
0x9a: {  	[sflag:s17] =	ssyncadd.s32 $0xFFFFC000  }
0x9b: {  	_ =	swait.ge [sflag:s23], $0x4000  }
0x9c: {  	[sflag:s23] =	ssyncset.done $0x0  }
0x9d: {  	[sflag:s23] =	ssyncadd.s32 $0xFFFFC000  }
0x9e: {  	[spmem:s2] =	stream.indirect.scatter.add.f32 [tilespmem:s21], [sflag:$0x3], $0x80, s20, s18, $0xb8;
	[tilespmem:$0x1BE80] =	vst v63  }
0x9f: {  	_ =	swait.ge [sflag:s17], $0x4000  }
0xa0: {  	[sflag:s17] =	ssyncset.done $0x0  }
0xa1: {  	s31 =	sshll.u32 s1, $0x6;
	[sflag:s17] =	ssyncadd.s32 $0xFFFFC000  }
0xa2: {  	s0 =	sor.u32 $0x1C03, s31;
	[bflag:$0x0] =	sbarrier.arrive $0xFFFF  }
0xa3: {  	[hbm:s11], [sflag:s0] =	dma.local [spmem:s24], $0x2700  }
0xa4: {  	_ =	swait.ge [sflag:s17], $0x2700  }
0xa5: {  	s26 =	sadd.s32 $0x1, s26;
	[sflag:s17] =	ssyncset.done $0x0  }
0xa6: {  	p1 =	sne.s32 s26, s13;
	[sflag:s17] =	ssyncadd.s32 $0xFFFFD900  }
0xa7: {  	[hbm:s12], [sflag:s0] =	dma.local @!p0 [spmem:s25], $0x100  }
.Ltmp2:
0xa8: {  	_ = 	snop;
	(pc) =	sbr.rel @p1 .LBB2_1-.Ltmp2, $4  }
0xa9: {  	s0 =	simm.s32 @!p0 $0x3  }
0xaa: {  	_ =	swait.ge @!p0 [sflag:s0], $0x100  }
0xab: {  	[sflag:s0] =	ssyncset.done @!p0 $0x0  }
0xac: {  	[sflag:s0] =	ssyncadd.s32 @!p0 $0xFFFFFF00  }
0xad: {  	_ =	sfence.sel $0x180000  }
0xae: {  	[bflag:$0x0] =	sbarrier.arrive $0xFFFF  }
0xaf: {  	_ =	strace $0x9000004A  }
0xb0: {  	[bflag:$0x2] =	sbarrier.arrive $0xFFFF  }
0xb1: {  	s0 =	rddreg [dreg:$0x2]  }
0xb2: {  	s0 =	sadd.s32 @!p0 $0x100000, s0  }
0xb3: {  	[sflag:s0] =	ssyncadd.tile.s32 @!p0 $0x1;
	_ =	shalt  }
.Lfunc_end2:
_tile_overlayer_lowered:
.L_overlay_start_2:
0xb4: {  	(tag) =	ssettag $0x2  }
0xb5: {  	s0 =	rddreg [dreg:$0x0];
	s2 =	stileid.u32  }
0xb6: {  	s1 =	rddreg [dreg:$0x1];
	p0 =	sne.s32 s2, $0x0  }
0xb7: {  	s3 =	rddreg [dreg:$0x2];
	[bflag:$0x3] =	sbarrier.arrive $0xFFFF;
	s2 =	simm.s32 @!p0 $0x1C03  }
0xb8: {  	[timem:s3], [sflag:s2] =	dma.local @!p0 [hbm:s0], s1  }
0xb9: {  	s0 =	simm.s32 @!p0 $0x3  }
0xba: {  	_ =	swait.ge @!p0 [sflag:s0], s1  }
0xbb: {  	s1 =	ssub.s32 @!p0 $0x0, s1;
	[sflag:s0] =	ssyncset.done @!p0 $0x0  }
0xbc: {  	[sflag:s0] =	ssyncadd.s32 @!p0 s1  }
0xbd: {  	[bflag:$0x3] =	sbarrier.arrive $0xFFFF  }
0xbe: {  	_ =	shalt  }

// kernel: kernel.7.cloned.1.call-start
scs
__scs_entry_jumppad:
0x0: {  	(pc) =	sbr.rel $0x88, $3  }
0x1: {  	(tag) =	ssettag $0x0;
	lr =	simm.s32 $0x1  }
0x2: {  	[smem:$0x3F92] =	sst lr;
	_ =	strace $0xD0000000  }
0x3: {  	_ = 	snop  }
0x4: {  	_ = 	snop  }
0x5: {  	_ = 	snop  }
0x6: {  	_ = 	snop  }
0x7: {  	_ = 	snop  }
__scs_overlays_trampoline_lowered:
0x8: {  	[smem:$0x3FA1] =	sst s0  }
0x9: {  	[smem:$0x3FA2] =	sst s1  }
0xa: {  	[smem:$0x3FA3] =	sst s2  }
0xb: {  	[smem:$0x3FA4] =	sst s3  }
0xc: {  	[smem:$0x3FA5] =	sst s4  }
0xd: {  	[smem:$0x3FA6] =	sst s5  }
0xe: {  	[smem:$0x3FA7] =	sst s6  }
0xf: {  	[smem:$0x3FA8] =	sst s7  }
0x10: {  	[smem:$0x3FA9] =	sst s8  }
0x11: {  	[smem:$0x3FAA] =	sst s9;
	s0 =	simm.s32 @!p0 $0x0  }
0x12: {  	s1 =	sld [smem:$0x3F90];
	s0 =	simm.s32 @p0 $0x1  }
0x13: {  	[smem:$0x3FAB] =	sst s0;
	s0 =	simm.s32 @!p1 $0x0  }
0x14: {  	s2 =	sld [smem:$0x3F8F];
	s0 =	simm.s32 @p1 $0x1  }
0x15: {  	[smem:$0x3FAC] =	sst s0;
	s0 =	simm.s32 @!p2 $0x0  }
0x16: {  	s3 =	sld [smem:$0x3FDB];
	s0 =	simm.s32 @p2 $0x1  }
0x17: {  	s4 =	simm.s32 $0x1BF5;
	[smem:$0x3FAE] =	sst s0  }
0x18: {  	s0 =	sld [smem:$0x3F91];
	_ =	swait.ge [sflag:s4], $0x0  }
0x19: {  	s7 =	sld [smem:$0x3F92]  }
0x1a: {  	s8 =	sadd.s32 $0xFFFFE003, lr  }
0x1b: {  	s9 =	sadd.s32 $0xFFFFFEF7, lr;
	s5 =	simm.s32 $0xFFFFFFFF;
	p2 =	slt.u32 s8, $0xFFFFF086  }
0x1c: {  	p1 =	slt.u32 s9, $0xF7A;
	s5 =	simm.s32 @!p2 $0x0  }
0x1d: {  	s5 =	simm.s32 @p1 $0x1;
	p0 =	seq.s32 s7, s2  }
0x1e: {  	s7 =	smul.u32 @!p0 $0xF7A, s2;
	p2 =	seq.s32 @!p0 s5, $0x0  }
0x1f: {  	s9 =	smul.u32 $0xF7A, s1;
	s8 =	simm.s32 @!p0 $0x1BF5;
	p2 =	por !p2, p0  }
0x20: {  	[sflag:s8] =	ssyncset.s32 @!p0 $0xFFFFF086;
	s6 =	sadd.s32 @!p0 s3, s7;
	s7 =	simm.s32 @!p0 $0x108  }
0x21: {  	s3 =	sadd.s32 s3, s9;
	s6 =	sadd.s32 @!p0 $0x88, s6;
	s7 =	simm.s32 @p2 $0x1082  }
0x22: {  	[simem:s7], [sflag:s8] =	dma.local @!p0 [hbm:s6], $0xF7A  }
0x23: {  	s9 =	sor.u32 $0xD0000000, s2;
	s6 =	simm.s32 $0x108;
	_ =	swait.ge @!p0 [sflag:s8], $0x0  }
0x24: {  	s3 =	sadd.s32 $0x88, s3;
	s6 =	simm.s32 @!p1 $0x1082;
	[sflag:s4] =	ssyncset.s32 $0xFFFFF086  }
0x25: {  	[simem:s6], [sflag:s4] =	dma.local [hbm:s3], $0xF7A  }
0x26: {  	[smem:$0x3F92] =	sst s1;
	(tag) =	ssettag s2;
	_ =	strace s9  }
0x27: {  	s1 =	sld [smem:$0x3FA2]  }
0x28: {  	s2 =	sld [smem:$0x3FA3]  }
0x29: {  	s4 =	sld [smem:$0x3FA5]  }
0x2a: {  	p0 =	seq.s32 s5, $0x0;
	s5 =	sld [smem:$0x3FA6]  }
0x2b: {  	s6 =	sld [smem:$0x3FA7]  }
0x2c: {  	s7 =	sld [smem:$0x3FA8]  }
0x2d: {  	s3 =	simm.s32 $0x108;
	s8 =	sld [smem:$0x3FA9]  }
0x2e: {  	s3 =	simm.s32 @!p0 $0x1082;
	s9 =	sld [smem:$0x3FAA]  }
0x2f: {  	lr =	sadd.s32 s0, s3;
	s0 =	sld [smem:$0x3FA1]  }
0x30: {  	s3 =	sld [smem:$0x3FA4]  }
0x31: {  	[smem:$0x3FAD] =	sst s10  }
0x32: {  	s10 =	sld [smem:$0x3FAB];
	_ =	sdelay $0x3  }
0x33: {  	p0 =	seq.s32 s10, $0x1;
	s10 =	sld [smem:$0x3FAD];
	_ =	sdelay $0x3  }
0x34: {  	[smem:$0x3FAD] =	sst s10  }
0x35: {  	s10 =	sld [smem:$0x3FAC];
	_ =	sdelay $0x3  }
0x36: {  	p1 =	seq.s32 s10, $0x1;
	s10 =	sld [smem:$0x3FAD];
	_ =	sdelay $0x3  }
0x37: {  	[smem:$0x3FAD] =	sst s10  }
0x38: {  	s10 =	sld [smem:$0x3FAE]  }
0x39: {  	_ = 	snop;
	(pc) =	sbr.ind lr, $3  }
0x3a: {  	_ = 	snop  }
0x3b: {  	_ = 	snop  }
0x3c: {  	p2 =	seq.s32 s10, $0x1;
	s10 =	sld [smem:$0x3FAD]  }
0x3d: {  	_ =	shalt  }
0x3e: {  	_ =	shalt  }
0x3f: {  	_ =	shalt  }
0x40: {  	_ =	shalt  }
0x41: {  	_ =	shalt  }
0x42: {  	_ =	shalt  }
0x43: {  	_ =	shalt  }
0x44: {  	_ =	shalt  }
0x45: {  	_ =	shalt  }
0x46: {  	_ =	shalt  }
0x47: {  	_ =	shalt  }
0x48: {  	_ =	shalt  }
0x49: {  	_ =	shalt  }
0x4a: {  	_ =	shalt  }
0x4b: {  	_ =	shalt  }
0x4c: {  	_ =	shalt  }
0x4d: {  	_ =	shalt  }
0x4e: {  	_ =	shalt  }
0x4f: {  	_ =	shalt  }
0x50: {  	_ =	shalt  }
0x51: {  	_ =	shalt  }
0x52: {  	_ =	shalt  }
0x53: {  	_ =	shalt  }
0x54: {  	_ =	shalt  }
0x55: {  	_ =	shalt  }
0x56: {  	_ =	shalt  }
0x57: {  	_ =	shalt  }
0x58: {  	_ =	shalt  }
0x59: {  	_ =	shalt  }
0x5a: {  	_ =	shalt  }
0x5b: {  	_ =	shalt  }
0x5c: {  	_ =	shalt  }
0x5d: {  	_ =	shalt  }
0x5e: {  	_ =	shalt  }
0x5f: {  	_ =	shalt  }
0x60: {  	_ =	shalt  }
0x61: {  	_ =	shalt  }
0x62: {  	_ =	shalt  }
0x63: {  	_ =	shalt  }
0x64: {  	_ =	shalt  }
0x65: {  	_ =	shalt  }
0x66: {  	_ =	shalt  }
0x67: {  	_ =	shalt  }
0x68: {  	_ =	shalt  }
0x69: {  	_ =	shalt  }
0x6a: {  	_ =	shalt  }
0x6b: {  	_ =	shalt  }
0x6c: {  	_ =	shalt  }
0x6d: {  	_ =	shalt  }
0x6e: {  	_ =	shalt  }
0x6f: {  	_ =	shalt  }
0x70: {  	_ =	shalt  }
0x71: {  	_ =	shalt  }
0x72: {  	_ =	shalt  }
0x73: {  	_ =	shalt  }
0x74: {  	_ =	shalt  }
0x75: {  	_ =	shalt  }
0x76: {  	_ =	shalt  }
0x77: {  	_ =	shalt  }
0x78: {  	_ =	shalt  }
0x79: {  	_ =	shalt  }
0x7a: {  	_ =	shalt  }
0x7b: {  	_ =	shalt  }
0x7c: {  	_ =	shalt  }
0x7d: {  	_ =	shalt  }
0x7e: {  	_ =	shalt  }
0x7f: {  	_ =	shalt  }
0x80: {  	_ =	shalt  }
0x81: {  	_ =	shalt  }
0x82: {  	_ =	shalt  }
0x83: {  	_ =	shalt  }
0x84: {  	_ =	shalt  }
0x85: {  	_ =	shalt  }
0x86: {  	_ =	shalt  }
0x87: {  	_ =	shalt  }
.Lfunc_end0:
.L_simem_size_0:
called_computation_lowered:
.L_overlay_start_0:
0x88: {  	s2 =	sld [smem:$0x3FD9]  }
0x89: {  	s3 =	sld [smem:$0x3FFE];
	_ =	sdelay $0x1  }
0x8a: {  	s1 =	srdreg.scid  }
0x8b: {  	s0 =	sand.u32 $0x1, s1  }
0x8c: {  	s17 =	sshll.u32 s0, $0xA;
	s2 =	sadd.s32 s3, s2  }
0x8d: {  	s2 =	sadd.s32 s2, s17  }
0x8e: {  	[smem:$0x3FB9] =	sst s2  }
0x8f: {  	_ = 	snop  }
0x90: {  	s2 =	sld [smem:$0x3FC9];
	(tm) =	ssettm $0x1  }
0x91: {  	s18 =	sld [smem:$0x3FFB];
	_ =	sdelay $0x3  }
0x92: {  	_ =	strace s18  }
0x93: {  	s3 =	sld [smem:$0x3FFC];
	_ =	sdelay $0x3  }
0x94: {  	_ =	strace s3  }
0x95: {  	s3 =	sld [smem:$0x3FFD];
	_ =	sdelay $0x3  }
0x96: {  	_ =	strace s3  }
0x97: {  	_ =	strace $0x8FFFFFFF  }
0x98: {  	s19 =	sld [smem:$0x3FDB];
	_ =	sdelay $0x1  }
0x99: {  	s4 =	simm.s32 $_scs_section_size  }
0x9a: {  	s5 =	simm.s32 $_size__tile_overlayer_lowered;
	s6 =	simm.s32 $_tile_overlayer_lowered  }
0x9b: {  	s22 =	simm.s32 $0x1BFF;
	s21 =	sshll.u32 s6, $0x1;
	s3 =	sadd.s32 s4, s19  }
0x9c: {  	s7 =	simm.s32 $0x0;
	s20 =	sshll.u32 s5, $0x1;
	s5 =	sadd.s32 s21, s3  }
0x9d: {  	[timem:s7], [sflag:s22] =	dma.local [hbm:s5], s20  }
0x9e: {  	_ =	swait.ge [sflag:s22], s20  }
0x9f: {  	s4 =	ssub.s32 $0x0, s20;
	[sflag:s22] =	ssyncset.done $0x0  }
0xa0: {  	[sflag:s22] =	ssyncadd.s32 s4;
	_ =	sdelay $0x1  }
0xa1: {  	s23 =	simm.s32 $0x1B8B  }
0xa2: {  	_ =	swait.ge [sflag:s23], $0x1  }
0xa3: {  	[sflag:s23] =	ssyncset.done $0x0  }
0xa4: {  	s25 =	simm.s32 $0x1B8E;
	s24 =	sld [smem:$0x3FFE];
	[sflag:s23] =	ssyncadd.s32 $0xFFFFFFFF  }
0xa5: {  	s26 =	simm.s32 $execute0_lowered;
	[smem:$0x3FD2] =	sst s25  }
0xa6: {  	s5 =	sshll.u32 s26, $0x1;
	_ =	strace $0x80000046;
	[dreg:$0x1] =	wrdreg $0xFFFFFFFF  }
0xa7: {  	s28 =	simm.s32 $_size_execute0_lowered;
	s3 =	sadd.s32 s3, s5;
	[dreg:$0x0] =	wrdreg $0x0  }
0xa8: {  	s5 =	sshll.u32 s28, $0x1;
	[dreg:$0x2] =	wrdreg s3  }
0xa9: {  	[dreg:$0x3] =	wrdreg s5  }
0xaa: {  	[dreg:$0x4] =	wrdreg $0xC0  }
0xab: {  	_ =	task [dreg:s7], $0x5FFFF  }
0xac: {  	[dreg:$0x1] =	wrdreg $0xFFFFFFFF  }
0xad: {  	[dreg:$0x0] =	wrdreg $0x60  }
0xae: {  	[dreg:$0x2] =	wrdreg s2  }
0xaf: {  	[dreg:$0x3] =	wrdreg s24  }
0xb0: {  	[dreg:$0x4] =	wrdreg $0x82000  }
0xb1: {  	[dreg:$0x5] =	wrdreg $0x9  }
0xb2: {  	_ =	task.clear_ibuf [dreg:s7], $0x6FFFF;
	_ =	strace $0x90000046  }
0xb3: {  	s29 =	simm.s32 $0x9;
	_ =	strace $0x80000048  }
0xb4: {  	_ =	swait.ge [sflag:s29], $0x1  }
0xb5: {  	[sflag:s29] =	ssyncadd.s32 $0xFFFFFFFF  }
0xb6: {  	_ =	strace $0x90000048  }
0xb7: {  	_ =	sfence  }
0xb8: {  	s30 =	sld [smem:$0x0];
	_ =	sdelay $0x2  }
0xb9: {  	s31 =	sshll.u32 s1, $0xD;
	s1 =	sshrl.u32 s1, $0x2  }
0xba: {  	s3 =	sand.u32 $0x4000, s31;
	s1 =	sadd.s32 s1, s30  }
0xbb: {  	s0 =	sor.u32 s3, s0;
	s1 =	sshll.u32 s1, $0x11  }
0xbc: {  	s0 =	sor.u32 s1, s0  }
0xbd: {  	s0 =	sadd.s32 $0x8F2B, s0  }
0xbe: {  	[sflag:s0] =	ssyncadd.remote.s32 $0x1  }
0xbf: {  	_ =	sfence.sel $0xFFFF  }
0xc0: {  	[dreg:$0x0] =	wrdreg $0xFFFFFFFF;
	(pc) =	sbr.abs _section_cstart, $3  }
0xc1: {  	[dreg:$0x1] =	wrdreg $0xFFFFFFFF  }
0xc2: {  	_ =	task.clear_ibuf [dreg:s7], $0x2FFFF;
	_ =	strace $0x9FFFFFFF  }
0xc3: {  	(tm) =	ssettm $0x7FFFFFFF  }
tec
execute0_lowered:
.L_overlay_start_1:
0x0: {  	(tag) =	ssettag $0x1  }
0x1: {  	s0 =	rddreg [dreg:$0x0]  }
0x2: {  	s2 =	srdreg.scid;
	s5 =	rddreg [dreg:$0x1]  }
0x3: {  	s1 =	stileid.u32;
	s3 =	rddreg [dreg:$0x2]  }
0x4: {  	s4 =	simm.s32 $0x0;
	s18 =	simm.s32 $0x80;
	s19 =	simm.s32 $0x100  }
0x5: {  	s20 =	simm.s32 $0x180;
	s21 =	simm.s32 $0x4200;
	s7 =	smul.u32 $0x5000, s1  }
0x6: {  	s22 =	simm.s32 $0x1;
	s23 =	simm.s32 $0x2;
	s28 =	smul.u32 $0x4F000, s1  }
0x7: {  	s26 =	simm.s32 $0x0;
	s6 =	sand.u32 $0x1, s2;
	s10 =	smul.u32 $0x13800, s1  }
0x8: {  	[smem:$0x7FF] =	sst s4;
	s12 =	sadd.s32 $0x17200, s5;
	s16 =	smul.u32 $0x4E000, s1  }
0x9: {  	s25 =	sadd.s32 $0x138000, s3;
	p0 =	sne.s32 s1, $0x0;
	s8 =	smul.u32 $0x2800, s6  }
0xa: {  	_ =	strace $0x80000047;
	s29 =	ssub.s32 $0x2, s6;
	s11 =	smul.u32 $0x138800, s6  }
0xb: {  	s25 =	sshrl.u32 @!p0 s25, $0x3;
	s30 =	sshrl.u32 s29, $0x1;
	s31 =	sshrl.u32 s16, $0x2  }
0xc: {  	s16 =	simm.s32 $0x200;
	s7 =	sadd.s32 s8, s7;
	s8 =	sshrl.u32 s28, $0x2  }
0xd: {  	s13 =	ssub.s32 s29, s30;
	s14 =	sadd.s32 s10, s11;
	s10 =	sadd.s32 $0x13C000, s3  }
0xe: {  	s17 =	sshrl.u32 s11, $0x3;
	s24 =	sadd.s32 s31, s3;
	s7 =	sshrl.u32 s7, $0x3  }
0xf: {  	s14 =	sshrl.u32 s14, $0x3;
	s13 =	smax.u32 s13, $0x1;
	s24 =	sshrl.u32 s24, $0x3  }
0x10: {  	s15 =	sadd.s32 s7, s5;
	s5 =	sadd.s32 s8, s3;
	s11 =	sadd.s32 s12, s14  }
0x11: {  	s12 =	sadd.s32 s12, s17;
	s17 =	simm.s32 $0x3;
	s6 =	sadd.s32 $0x4000, s5  }
0x12: {  	s7 =	sadd.s32 $0x8000, s5;
	s8 =	sadd.s32 $0xC000, s5;
	s9 =	sadd.s32 $0x10000, s5  }
0x13: {  	v0 =	vimm.f32 $0.0e+00;
	s12 =	sadd.s32 $0x27000, s12;
	s14 =	sadd.s32 $0x3200, s15;
	s15 =	sadd.s32 $0xD200, s15  }
.LBB2_1:
0x14: {  	s28 =	simm.s32 $0x0;
	s29 =	simm.s32 $0x200  }
.LBB2_2:
0x15: {  	p1 =	sne.s32 s29, $0xFE00;
	[tilespmem:s28+$0x270] =	vst v0  }
0x16: {  	[tilespmem:s28+$0x200] =	vst v0  }
0x17: {  	[tilespmem:s28+$0x210] =	vst v0  }
.Ltmp0:
0x18: {  	[tilespmem:s28+$0x220] =	vst v0;
	(pc) =	sbr.rel @p1 .LBB2_2-.Ltmp0, $4  }
0x19: {  	[tilespmem:s28+$0x230] =	vst v0  }
0x1a: {  	[tilespmem:s28+$0x240] =	vst v0  }
0x1b: {  	[tilespmem:s28+$0x250] =	vst v0  }
0x1c: {  	[tilespmem:s28+$0x260] =	vst v0;
	s28 =	sshra.s32 s29, $0x2;
	s29 =	sadd.s32 $0x200, s29  }
0x1d: {  	[tilespmem:s28+$0x270] =	vst v0  }
0x1e: {  	[tilespmem:s28+$0x200] =	vst v0  }
0x1f: {  	[tilespmem:s28+$0x210] =	vst v0  }
0x20: {  	[tilespmem:s28+$0x220] =	vst v0  }
0x21: {  	[tilespmem:s28+$0x230] =	vst v0  }
0x22: {  	[tilespmem:s28+$0x240] =	vst v0  }
0x23: {  	[tilespmem:s28+$0x250] =	vst v0  }
0x24: {  	[tilespmem:s28+$0x260] =	vst v0  }
0x25: {  	[spmem:s5] =	stream.linear.scatter [tilespmem:s16], [sflag:$0x3], $0x4000, $0x38;
	[tilespmem:$0x1BE80] =	vst v63  }
0x26: {  	_ =	swait.ge [sflag:s17], $0x4000  }
0x27: {  	[sflag:s17] =	ssyncset.done $0x0  }
0x28: {  	[sflag:s17] =	ssyncadd.s32 $0xFFFFC000  }
0x29: {  	[spmem:s6] =	stream.linear.scatter [tilespmem:s16], [sflag:$0x3], $0x4000, $0x38;
	[tilespmem:$0x1BE80] =	vst v63  }
0x2a: {  	_ =	swait.ge [sflag:s17], $0x4000  }
0x2b: {  	[sflag:s17] =	ssyncset.done $0x0  }
0x2c: {  	[sflag:s17] =	ssyncadd.s32 $0xFFFFC000  }
0x2d: {  	[spmem:s7] =	stream.linear.scatter [tilespmem:s16], [sflag:$0x3], $0x4000, $0x38;
	[tilespmem:$0x1BE80] =	vst v63  }
0x2e: {  	_ =	swait.ge [sflag:s17], $0x4000  }
0x2f: {  	[sflag:s17] =	ssyncset.done $0x0  }
0x30: {  	[sflag:s17] =	ssyncadd.s32 $0xFFFFC000  }
0x31: {  	[spmem:s8] =	stream.linear.scatter [tilespmem:s16], [sflag:$0x3], $0x4000, $0x38;
	[tilespmem:$0x1BE80] =	vst v63  }
0x32: {  	_ =	swait.ge [sflag:s17], $0x4000  }
0x33: {  	[sflag:s17] =	ssyncset.done $0x0  }
0x34: {  	[sflag:s17] =	ssyncadd.s32 $0xFFFFC000  }
0x35: {  	[spmem:s9] =	stream.linear.scatter [tilespmem:s16], [sflag:$0x3], $0x3C00, $0x38;
	[tilespmem:$0x1BE80] =	vst v63  }
0x36: {  	_ =	swait.ge [sflag:s17], $0x3C00  }
0x37: {  	[sflag:s17] =	ssyncset.done $0x0  }
0x38: {  	s28 =	simm.s32 @!p0 $0x200;
	[sflag:s17] =	ssyncadd.s32 $0xFFFFC400  }
0x39: {  	[spmem:s10] =	stream.linear.scatter @!p0 [tilespmem:s28], [sflag:$0x3], $0x800, $0x38;
	[tilespmem:$0x1BE80] =	vst v63  }
0x3a: {  	s28 =	simm.s32 @!p0 $0x3  }
0x3b: {  	_ =	swait.ge @!p0 [sflag:s28], $0x800  }
0x3c: {  	[sflag:s28] =	ssyncset.done @!p0 $0x0  }
0x3d: {  	[sflag:s28] =	ssyncadd.s32 @!p0 $0xFFFFF800  }
0x3e: {  	s28 =	sadd.s32 $0x0, s14;
	[bflag:$0x0] =	sbarrier.arrive $0xFFFF  }
0x3f: {  	[tilespmem:s4], [sflag:$0x3] =	stream.linear.gather [hbm4b:s28+s4], $0x80, $0x38;
	[tilespmem:$0x1BE80] =	vst v63  }
0x40: {  	_ =	swait.ge [sflag:s17], $0x80  }
0x41: {  	[sflag:s17] =	ssyncset.done $0x0  }
0x42: {  	s29 =	sadd.s32 $0x0, s15;
	[sflag:s17] =	ssyncadd.s32 $0xFFFFFF80  }
0x43: {  	[tilespmem:s18], [sflag:$0x3] =	stream.linear.gather [hbm4b:s29+s4], $0x80, $0x38;
	[tilespmem:$0x1BE80] =	vst v63  }
0x44: {  	_ =	swait.ge [sflag:s17], $0x80  }
0x45: {  	[sflag:s17] =	ssyncset.done $0x0  }
0x46: {  	[sflag:s17] =	ssyncadd.s32 $0xFFFFFF80  }
0x47: {  	[tilespmem:s16], [sflag:$0x1] =	stream.indirect.gather [hbm4b:s0+s18], $0x80, s4, s18, $0xb8;
	[tilespmem:$0x1BE80] =	vst v63  }
0x48: {  	s28 =	sadd.s32 $0x10, s28  }
0x49: {  	[tilespmem:s19], [sflag:$0x3] =	stream.linear.gather [hbm4b:s28+s4], $0x80, $0x38;
	[tilespmem:$0x1BE80] =	vst v63  }
0x4a: {  	_ =	swait.ge [sflag:s17], $0x80  }
0x4b: {  	[sflag:s17] =	ssyncset.done $0x0  }
0x4c: {  	s28 =	sadd.s32 $0x10, s29;
	[sflag:s17] =	ssyncadd.s32 $0xFFFFFF80  }
0x4d: {  	[tilespmem:s20], [sflag:$0x3] =	stream.linear.gather [hbm4b:s28+s4], $0x80, $0x38;
	[tilespmem:$0x1BE80] =	vst v63  }
0x4e: {  	_ =	swait.ge [sflag:s17], $0x80  }
0x4f: {  	[sflag:s17] =	ssyncset.done $0x0  }
0x50: {  	[sflag:s17] =	ssyncadd.s32 $0xFFFFFF80  }
0x51: {  	[tilespmem:s21], [sflag:$0x2] =	stream.indirect.gather [hbm4b:s0+s18], $0x80, s19, s18, $0xb8;
	[tilespmem:$0x1BE80] =	vst v63  }
0x52: {  	_ =	swait.ge [sflag:s22], $0x4000  }
0x53: {  	[sflag:s22] =	ssyncset.done $0x0  }
0x54: {  	[sflag:s22] =	ssyncadd.s32 $0xFFFFC000  }
0x55: {  	[spmem:s3] =	stream.indirect.scatter.add.f32 [tilespmem:s16], [sflag:$0x3], $0x80, s18, s18, $0xb8;
	[tilespmem:$0x1BE80] =	vst v63  }
0x56: {  	_ =	swait.ge [sflag:s17], $0x4000  }
0x57: {  	[sflag:s17] =	ssyncset.done $0x0  }
0x58: {  	[sflag:s17] =	ssyncadd.s32 $0xFFFFC000  }
0x59: {  	_ =	swait.ge [sflag:s23], $0x4000  }
0x5a: {  	[sflag:s23] =	ssyncset.done $0x0  }
0x5b: {  	[sflag:s23] =	ssyncadd.s32 $0xFFFFC000  }
0x5c: {  	[spmem:s3] =	stream.indirect.scatter.add.f32 [tilespmem:s21], [sflag:$0x3], $0x80, s20, s18, $0xb8;
	[tilespmem:$0x1BE80] =	vst v63  }
0x5d: {  	_ =	swait.ge [sflag:s17], $0x4000  }
0x5e: {  	s30 =	simm.s32 $0x40;
	s28 =	simm.s32 $0x20;
	[sflag:s17] =	ssyncset.done $0x0  }
.LBB2_4:
0x5f: {  	s31 =	sadd.s32 s28, s14  }
0x60: {  	[sflag:s17] =	ssyncadd.s32 $0xFFFFC000;
	s2 =	smov.u32 s30;
	s29 =	sadd.s32 $0x20, s30  }
0x61: {  	[tilespmem:s4], [sflag:$0x3] =	stream.linear.gather [hbm4b:s31+s4], $0x80, $0x38;
	[tilespmem:$0x1BE80] =	vst v63  }
0x62: {  	p1 =	sne.s32 s30, $0x4E0;
	_ =	swait.ge [sflag:s17], $0x80  }
0x63: {  	[sflag:s17] =	ssyncset.done $0x0  }
0x64: {  	s30 =	sadd.s32 s28, s15;
	s28 =	smov.u32 s2;
	[sflag:s17] =	ssyncadd.s32 $0xFFFFFF80  }
0x65: {  	[tilespmem:s18], [sflag:$0x3] =	stream.linear.gather [hbm4b:s30+s4], $0x80, $0x38;
	[tilespmem:$0x1BE80] =	vst v63  }
0x66: {  	_ =	swait.ge [sflag:s17], $0x80  }
0x67: {  	[sflag:s17] =	ssyncset.done $0x0  }
0x68: {  	[sflag:s17] =	ssyncadd.s32 $0xFFFFFF80  }
0x69: {  	[tilespmem:s16], [sflag:$0x1] =	stream.indirect.gather [hbm4b:s0+s18], $0x80, s4, s18, $0xb8;
	[tilespmem:$0x1BE80] =	vst v63  }
0x6a: {  	s2 =	sadd.s32 $0x10, s31  }
0x6b: {  	[tilespmem:s19], [sflag:$0x3] =	stream.linear.gather [hbm4b:s2+s4], $0x80, $0x38;
	[tilespmem:$0x1BE80] =	vst v63  }
0x6c: {  	_ =	swait.ge [sflag:s17], $0x80  }
0x6d: {  	[sflag:s17] =	ssyncset.done $0x0  }
0x6e: {  	s2 =	sadd.s32 $0x10, s30;
	[sflag:s17] =	ssyncadd.s32 $0xFFFFFF80  }
0x6f: {  	[tilespmem:s20], [sflag:$0x3] =	stream.linear.gather [hbm4b:s2+s4], $0x80, $0x38;
	[tilespmem:$0x1BE80] =	vst v63  }
0x70: {  	_ =	swait.ge [sflag:s17], $0x80  }
0x71: {  	[sflag:s17] =	ssyncset.done $0x0  }
0x72: {  	[sflag:s17] =	ssyncadd.s32 $0xFFFFFF80  }
0x73: {  	[tilespmem:s21], [sflag:$0x2] =	stream.indirect.gather [hbm4b:s0+s18], $0x80, s19, s18, $0xb8;
	[tilespmem:$0x1BE80] =	vst v63  }
0x74: {  	_ =	swait.ge [sflag:s22], $0x4000  }
0x75: {  	[sflag:s22] =	ssyncset.done $0x0  }
0x76: {  	[sflag:s22] =	ssyncadd.s32 $0xFFFFC000  }
0x77: {  	[spmem:s3] =	stream.indirect.scatter.add.f32 [tilespmem:s16], [sflag:$0x3], $0x80, s18, s18, $0xb8;
	[tilespmem:$0x1BE80] =	vst v63  }
0x78: {  	_ =	swait.ge [sflag:s17], $0x4000  }
0x79: {  	[sflag:s17] =	ssyncset.done $0x0  }
0x7a: {  	[sflag:s17] =	ssyncadd.s32 $0xFFFFC000  }
0x7b: {  	_ =	swait.ge [sflag:s23], $0x4000  }
.Ltmp1:
0x7c: {  	[sflag:s23] =	ssyncset.done $0x0;
	(pc) =	sbr.rel @p1 .LBB2_4-.Ltmp1, $4  }
0x7d: {  	[sflag:s23] =	ssyncadd.s32 $0xFFFFC000  }
0x7e: {  	[spmem:s3] =	stream.indirect.scatter.add.f32 [tilespmem:s21], [sflag:$0x3], $0x80, s20, s18, $0xb8;
	[tilespmem:$0x1BE80] =	vst v63  }
0x7f: {  	_ =	swait.ge [sflag:s17], $0x4000  }
0x80: {  	s30 =	smov.u32 s29;
	[sflag:s17] =	ssyncset.done $0x0  }
0x81: {  	s2 =	sadd.s32 s28, s14;
	[sflag:s17] =	ssyncadd.s32 $0xFFFFC000  }
0x82: {  	[tilespmem:s4], [sflag:$0x3] =	stream.linear.gather [hbm4b:s2+s4], $0x80, $0x38;
	[tilespmem:$0x1BE80] =	vst v63  }
0x83: {  	_ =	swait.ge [sflag:s17], $0x80  }
0x84: {  	[sflag:s17] =	ssyncset.done $0x0  }
0x85: {  	s29 =	sadd.s32 s28, s15;
	[sflag:s17] =	ssyncadd.s32 $0xFFFFFF80  }
0x86: {  	[tilespmem:s18], [sflag:$0x3] =	stream.linear.gather [hbm4b:s29+s4], $0x80, $0x38;
	[tilespmem:$0x1BE80] =	vst v63  }
0x87: {  	_ =	swait.ge [sflag:s17], $0x80  }
0x88: {  	[sflag:s17] =	ssyncset.done $0x0  }
0x89: {  	[sflag:s17] =	ssyncadd.s32 $0xFFFFFF80  }
0x8a: {  	[tilespmem:s16], [sflag:$0x1] =	stream.indirect.gather [hbm4b:s0+s18], $0x80, s4, s18, $0xb8;
	[tilespmem:$0x1BE80] =	vst v63  }
0x8b: {  	s2 =	sadd.s32 $0x10, s2  }
0x8c: {  	[tilespmem:s19], [sflag:$0x3] =	stream.linear.gather [hbm4b:s2+s4], $0x80, $0x38;
	[tilespmem:$0x1BE80] =	vst v63  }
0x8d: {  	_ =	swait.ge [sflag:s17], $0x80  }
0x8e: {  	[sflag:s17] =	ssyncset.done $0x0  }
0x8f: {  	s30 =	sadd.s32 $0x10, s29;
	[sflag:s17] =	ssyncadd.s32 $0xFFFFFF80  }
0x90: {  	[tilespmem:s20], [sflag:$0x3] =	stream.linear.gather [hbm4b:s30+s4], $0x80, $0x38;
	[tilespmem:$0x1BE80] =	vst v63  }
0x91: {  	_ =	swait.ge [sflag:s17], $0x80  }
0x92: {  	[sflag:s17] =	ssyncset.done $0x0  }
0x93: {  	[sflag:s17] =	ssyncadd.s32 $0xFFFFFF80  }
0x94: {  	[tilespmem:s21], [sflag:$0x2] =	stream.indirect.gather [hbm4b:s0+s18], $0x80, s19, s18, $0xb8;
	[tilespmem:$0x1BE80] =	vst v63  }
0x95: {  	_ =	swait.ge [sflag:s22], $0x4000  }
0x96: {  	[sflag:s22] =	ssyncset.done $0x0  }
0x97: {  	[sflag:s22] =	ssyncadd.s32 $0xFFFFC000  }
0x98: {  	[spmem:s3] =	stream.indirect.scatter.add.f32 [tilespmem:s16], [sflag:$0x3], $0x80, s18, s18, $0xb8;
	[tilespmem:$0x1BE80] =	vst v63  }
0x99: {  	_ =	swait.ge [sflag:s17], $0x4000  }
0x9a: {  	[sflag:s17] =	ssyncset.done $0x0  }
0x9b: {  	[sflag:s17] =	ssyncadd.s32 $0xFFFFC000  }
0x9c: {  	_ =	swait.ge [sflag:s23], $0x4000  }
0x9d: {  	[sflag:s23] =	ssyncset.done $0x0  }
0x9e: {  	[sflag:s23] =	ssyncadd.s32 $0xFFFFC000  }
0x9f: {  	[spmem:s3] =	stream.indirect.scatter.add.f32 [tilespmem:s21], [sflag:$0x3], $0x80, s20, s18, $0xb8;
	[tilespmem:$0x1BE80] =	vst v63  }
0xa0: {  	_ =	swait.ge [sflag:s17], $0x4000  }
0xa1: {  	[sflag:s17] =	ssyncset.done $0x0  }
0xa2: {  	s31 =	sshll.u32 s1, $0x6;
	[sflag:s17] =	ssyncadd.s32 $0xFFFFC000  }
0xa3: {  	s2 =	sor.u32 $0x1C03, s31;
	[bflag:$0x0] =	sbarrier.arrive $0xFFFF  }
0xa4: {  	[hbm:s11], [sflag:s2] =	dma.local [spmem:s24], $0x2700  }
0xa5: {  	_ =	swait.ge [sflag:s17], $0x2700  }
0xa6: {  	s26 =	sadd.s32 $0x1, s26;
	[sflag:s17] =	ssyncset.done $0x0  }
0xa7: {  	p1 =	sne.s32 s26, s13;
	[sflag:s17] =	ssyncadd.s32 $0xFFFFD900  }
0xa8: {  	[hbm:s12], [sflag:s2] =	dma.local @!p0 [spmem:s25], $0x100  }
.Ltmp2:
0xa9: {  	_ = 	snop;
	(pc) =	sbr.rel @p1 .LBB2_1-.Ltmp2, $4  }
0xaa: {  	s2 =	simm.s32 @!p0 $0x3  }
0xab: {  	_ =	swait.ge @!p0 [sflag:s2], $0x100  }
0xac: {  	[sflag:s2] =	ssyncset.done @!p0 $0x0  }
0xad: {  	[sflag:s2] =	ssyncadd.s32 @!p0 $0xFFFFFF00  }
0xae: {  	_ =	sfence.sel $0x180000  }
0xaf: {  	[bflag:$0x0] =	sbarrier.arrive $0xFFFF  }
0xb0: {  	_ =	strace $0x90000047  }
0xb1: {  	[bflag:$0x2] =	sbarrier.arrive $0xFFFF  }
0xb2: {  	s0 =	rddreg [dreg:$0x3]  }
0xb3: {  	s0 =	sadd.s32 @!p0 $0x100000, s0  }
0xb4: {  	[sflag:s0] =	ssyncadd.tile.s32 @!p0 $0x1;
	_ =	shalt  }
.Lfunc_end2:
_tile_overlayer_lowered:
.L_overlay_start_2:
0xb5: {  	(tag) =	ssettag $0x2  }
0xb6: {  	s0 =	rddreg [dreg:$0x0];
	s2 =	stileid.u32  }
0xb7: {  	s1 =	rddreg [dreg:$0x1];
	p0 =	sne.s32 s2, $0x0  }
0xb8: {  	s3 =	rddreg [dreg:$0x2];
	[bflag:$0x3] =	sbarrier.arrive $0xFFFF;
	s2 =	simm.s32 @!p0 $0x1C03  }
0xb9: {  	[timem:s3], [sflag:s2] =	dma.local @!p0 [hbm:s0], s1  }
0xba: {  	s0 =	simm.s32 @!p0 $0x3  }
0xbb: {  	_ =	swait.ge @!p0 [sflag:s0], s1  }
0xbc: {  	s1 =	ssub.s32 @!p0 $0x0, s1;
	[sflag:s0] =	ssyncset.done @!p0 $0x0  }
0xbd: {  	[sflag:s0] =	ssyncadd.s32 @!p0 s1  }
0xbe: {  	[bflag:$0x3] =	sbarrier.arrive $0xFFFF  }
0xbf: {  	_ =	shalt  }

</sc_bundles>
